<compile_context>
chip_gen: v7x
topology: tpu7x:2x2x1
jax: 0.10.2.dev20260603
libtpu: 0.0.44.dev20260713+nightly
codegen_flags: <defaults>
</compile_context>

<pallas_src>
import functools

import jax
import jax.numpy as jnp
from jax import lax
from jax.experimental import pallas as pl
from jax.experimental.pallas import tpu as pltpu
from jax.experimental.pallas import tpu_sc as plsc

N = 10000
E = 320000
IN_CH = 128
D = 64
NP = 10240
NCORES = 2
NSUB = 16
NTILES = NCORES * NSUB
CHUNK = 128
CPT = 80
EP = NTILES * CPT * CHUNK
STRIPE = NP // NSUB
DEGW = 16
RB = 1024

_mesh = plsc.VectorSubcoreMesh(core_axis_name="c", subcore_axis_name="s")
_SC_PARAMS = pltpu.CompilerParams(use_tc_tiling_on_sc=False)


@functools.partial(
    pl.kernel,
    out_type=jax.ShapeDtypeStruct((NCORES, NP, DEGW), jnp.float32),
    mesh=_mesh,
    scratch_types=[
        pltpu.VMEM((CPT, CHUNK), jnp.int32),
        pltpu.VMEM((CHUNK, DEGW), jnp.float32),
        pltpu.VMEM_SHARED((NP, DEGW), jnp.float32),
    ],
    compiler_params=_SC_PARAMS,
)
def _deg_kernel(dst_hbm, ones_hbm, zeros_hbm, out_hbm, didx, ones_v, acc):
    cid = lax.axis_index("c")
    sid = lax.axis_index("s")
    wid = sid * NCORES + cid
    pltpu.sync_copy(zeros_hbm.at[pl.ds(sid * STRIPE, STRIPE)],
                    acc.at[pl.ds(sid * STRIPE, STRIPE)])
    pltpu.sync_copy(dst_hbm.at[wid], didx)
    pltpu.sync_copy(ones_hbm, ones_v)
    plsc.subcore_barrier()

    @pl.loop(0, CPT)
    def _(j):
        pltpu.sync_copy(ones_v, acc.at[didx.at[j]], add=True)

    plsc.subcore_barrier()
    pltpu.sync_copy(acc.at[pl.ds(sid * STRIPE, STRIPE)],
                    out_hbm.at[cid, pl.ds(sid * STRIPE, STRIPE)])


@functools.partial(
    pl.kernel,
    out_type=jax.ShapeDtypeStruct((NCORES, NP, D), jnp.float32),
    mesh=_mesh,
    scratch_types=[
        pltpu.VMEM((CPT, CHUNK), jnp.int32),
        pltpu.VMEM((CPT, CHUNK), jnp.int32),
        pltpu.VMEM((CHUNK, D), jnp.float32),
        pltpu.VMEM_SHARED((NP, D), jnp.float32),
        pltpu.VMEM_SHARED((NP, D), jnp.float32),
    ],
    compiler_params=_SC_PARAMS,
)
def _hop_kernel(t_hbm, src_hbm, dst_hbm, zeros_hbm, out_hbm,
                sidx, didx, rows_a, tbl, acc):
    cid = lax.axis_index("c")
    sid = lax.axis_index("s")
    wid = sid * NCORES + cid
    pltpu.sync_copy(t_hbm.at[pl.ds(sid * STRIPE, STRIPE)],
                    tbl.at[pl.ds(sid * STRIPE, STRIPE)])
    pltpu.sync_copy(zeros_hbm.at[pl.ds(sid * STRIPE, STRIPE)],
                    acc.at[pl.ds(sid * STRIPE, STRIPE)])
    pltpu.sync_copy(src_hbm.at[wid], sidx)
    pltpu.sync_copy(dst_hbm.at[wid], didx)
    plsc.subcore_barrier()

    @pl.loop(0, CPT)
    def _(j):
        pltpu.sync_copy(tbl.at[sidx.at[j]], rows_a)
        pltpu.sync_copy(rows_a, acc.at[didx.at[j]], add=True)

    plsc.subcore_barrier()
    pltpu.sync_copy(acc.at[pl.ds(sid * STRIPE, STRIPE)],
                    out_hbm.at[cid, pl.ds(sid * STRIPE, STRIPE)])


def _mm_body(x_ref, w_ref, o_ref):
    o_ref[...] = lax.dot_general(
        x_ref[...], w_ref[...], (((1,), (1,)), ((), ())),
        preferred_element_type=jnp.float32,
        precision=lax.Precision.HIGHEST)


_matmul = pl.pallas_call(
    _mm_body,
    grid=(NP // RB,),
    in_specs=[pl.BlockSpec((RB, IN_CH), lambda i: (i, 0)),
              pl.BlockSpec((D, IN_CH), lambda i: (0, 0))],
    out_specs=pl.BlockSpec((RB, D), lambda i: (i, 0)),
    out_shape=jax.ShapeDtypeStruct((NP, D), jnp.float32),
)


def _deg_of(dp_ref):
    return dp_ref[0, :, 0:1] + dp_ref[1, :, 0:1] + 1.0


def _scale_body(h_ref, dp_ref, o_ref):
    o_ref[...] = h_ref[...] * lax.rsqrt(_deg_of(dp_ref))


def _mid_body(q_ref, t_ref, dp_ref, o_ref):
    o_ref[...] = (q_ref[0] + q_ref[1] + t_ref[...]) / _deg_of(dp_ref)


def _fin_body(r_ref, t_ref, dp_ref, b_ref, o_ref):
    o_ref[...] = ((r_ref[0] + r_ref[1] + t_ref[...])
                  * lax.rsqrt(_deg_of(dp_ref)) + b_ref[...])


_T_SPEC = pl.BlockSpec((RB, D), lambda i: (i, 0))
_P_SPEC = pl.BlockSpec((NCORES, RB, D), lambda i: (0, i, 0))
_DP_SPEC = pl.BlockSpec((NCORES, RB, DEGW), lambda i: (0, i, 0))
_OUT_T = jax.ShapeDtypeStruct((NP, D), jnp.float32)

_scale = pl.pallas_call(
    _scale_body, grid=(NP // RB,),
    in_specs=[_T_SPEC, _DP_SPEC], out_specs=_T_SPEC, out_shape=_OUT_T)

_mid = pl.pallas_call(
    _mid_body, grid=(NP // RB,),
    in_specs=[_P_SPEC, _T_SPEC, _DP_SPEC], out_specs=_T_SPEC, out_shape=_OUT_T)

_fin = pl.pallas_call(
    _fin_body, grid=(NP // RB,),
    in_specs=[_P_SPEC, _T_SPEC, _DP_SPEC,
              pl.BlockSpec((1, D), lambda i: (0, 0))],
    out_specs=_T_SPEC, out_shape=_OUT_T)


def kernel(x, edge_index, W, b):
    src = edge_index[0].astype(jnp.int32)
    dst = edge_index[1].astype(jnp.int32)
    pad = EP - E
    pad_dst = N + jnp.arange(pad, dtype=jnp.int32) % (NP - N)
    src3 = jnp.concatenate([src, pad_dst]).reshape(NTILES, CPT, CHUNK)
    dst3 = jnp.concatenate([dst, pad_dst]).reshape(NTILES, CPT, CHUNK)
    xp = jnp.pad(x, ((0, NP - N), (0, 0)))
    zeros_d = jnp.zeros((NP, D), jnp.float32)
    zeros_g = jnp.zeros((NP, DEGW), jnp.float32)
    ones_g = jnp.ones((CHUNK, DEGW), jnp.float32)

    h0 = _matmul(xp, W)
    dp = _deg_kernel(dst3, ones_g, zeros_g)
    t0 = _scale(h0, dp)
    q = _hop_kernel(t0, src3, dst3, zeros_d)
    t1 = _mid(q, t0, dp)
    r = _hop_kernel(t1, src3, dst3, zeros_d)
    out = _fin(r, t1, dp, b.reshape(1, D))
    return out[:N]

# --- scband reference (transcript-rebuilt; emitter-appended) ---
"""Pipeline reference for scband-sgc-51505247814299 (READ-ONLY COPY).

The authoritative reference and input builder live on the scoring server;
editing this copy changes nothing except your own understanding.
"""

import jax, jax.numpy as jnp
import numpy as np

N_NODES = 10000
N_EDGES = 320000
IN_CH = 128
OUT_CH = 64
K = 2


def setup_inputs(seed: int = 0) -> dict:
    key = jax.random.key(seed)
    k1, k2, k3, k4 = jax.random.split(key, 4)
    x = jax.random.normal(k1, (N_NODES, IN_CH), dtype=jnp.float32)
    edge_index = jax.random.randint(k2, (2, N_EDGES), 0, N_NODES, dtype=jnp.int64)
    # learned params of the single SGConv layer (linear: out_channels x in_channels)
    W = jax.random.normal(k3, (OUT_CH, IN_CH), dtype=jnp.float32) * (1.0 / np.sqrt(IN_CH))
    b = jax.random.normal(k4, (OUT_CH,), dtype=jnp.float32) * 0.01
    return {"x": x, "edge_index": edge_index, "W": W, "b": b}


def reference(x, edge_index, W, b):
    # SGC with no hidden layers == SGConv(in, out, K=2):
    #   x <- (D^{-1/2} (A + I) D^{-1/2})^K x ; out = x W^T + b
    N = x.shape[0]
    src = edge_index[0]
    dst = edge_index[1]
    # add self loops
    loop = jnp.arange(N, dtype=src.dtype)
    src = jnp.concatenate([src, loop])
    dst = jnp.concatenate([dst, loop])
    ew = jnp.ones(src.shape[0], dtype=x.dtype)
    # symmetric gcn normalization
    deg = jnp.zeros(N, dtype=x.dtype).at[dst].add(ew)
    deg_inv_sqrt = jnp.where(deg > 0, jax.lax.rsqrt(jnp.maximum(deg, 1e-12)), 0.0)
    norm = deg_inv_sqrt[src] * ew * deg_inv_sqrt[dst]
    h = x
    for _ in range(K):
        msgs = h[src] * norm[:, None]              # gather (memory-bound)
        h = jax.ops.segment_sum(msgs, dst, num_segments=N)  # scatter-add
    out = h @ W.T + b
    return out

if __name__ == "__main__":
    import jax
    _d = setup_inputs()
    print(jax.jit(kernel)(*tuple(_d.values())))

</pallas_src>

<mosaic_0001>
#map = affine_map<(d0, d1) -> (0, 0)>
#map1 = affine_map<(d0, d1) -> (0, 0, 0)>
module attributes {stable_mosaic.version = 14 : i64} {
  func.func @_hop_kernel(%arg0: i32, %arg1: i32, %arg2: memref<10240x64xf32, #tpu.memory_space<hbm>>, %arg3: memref<32x80x128xi32, #tpu.memory_space<hbm>>, %arg4: memref<32x80x128xi32, #tpu.memory_space<hbm>>, %arg5: memref<10240x64xf32, #tpu.memory_space<hbm>>, %arg6: memref<2x10240x64xf32, #tpu.memory_space<hbm>>, %arg7: memref<80x128xi32, #tpu.memory_space<vmem>>, %arg8: memref<80x128xi32, #tpu.memory_space<vmem>>, %arg9: memref<128x64xf32, #tpu.memory_space<vmem>>, %arg10: memref<10240x64xf32, #tpu.memory_space<vmem_shared>>, %arg11: memref<10240x64xf32, #tpu.memory_space<vmem_shared>>) attributes {dimension_semantics = [#tpu.dimension_semantics<core_parallel>, #tpu.dimension_semantics<subcore_parallel>], iteration_bounds = array<i64: 2, 16>, scalar_prefetch = 0 : i64, scratch_operands = 5 : i64, tpu.core_type = #tpu.core_type<sc_vector_subcore>, window_params = [{transform_indices = #map}, {transform_indices = #map1}, {transform_indices = #map1}, {transform_indices = #map}, {transform_indices = #map1}]} {
    %mul3A = arith.constant 2 : i32
    %mul3A_0 = arith.muli %arg1, %mul3A : i32
    %add3A = arith.addi %mul3A_0, %arg0 : i32
    %mul3A_1 = arith.constant 640 : i32
    %mul3A_2 = arith.muli %arg1, %mul3A_1 : i32
    %mul3A_3 = arith.constant 640 : i32
    %mul3A_4 = arith.muli %arg1, %mul3A_3 : i32
    "tpu.region"() ({
      %run_scoped3A = tpu.sem_alloc : memref<!tpu.dma_semaphore, #tpu.memory_space<semaphore_mem>>
      %dma_start3A = arith.constant 0 : i32
      %dma_start3A_18 = tpu.memref_slice %arg10[%mul3A_4, %dma_start3A] : memref<10240x64xf32, #tpu.memory_space<vmem_shared>> -> memref<640x64xf32, #tpu.memory_space<vmem_shared>>
      %dma_start3A_19 = arith.constant 0 : i32
      %dma_start3A_20 = tpu.memref_slice %arg2[%mul3A_2, %dma_start3A_19] : memref<10240x64xf32, #tpu.memory_space<hbm>> -> memref<640x64xf32, #tpu.memory_space<hbm>>
      tpu.enqueue_dma source(%dma_start3A_20 : memref<640x64xf32, #tpu.memory_space<hbm>>) target(%dma_start3A_18 : memref<640x64xf32, #tpu.memory_space<vmem_shared>>) target_semaphore(%run_scoped3A : memref<!tpu.dma_semaphore, #tpu.memory_space<semaphore_mem>>)
      %dma_wait3A = arith.constant 0 : i32
      %dma_wait3A_21 = tpu.memref_slice %arg10[%mul3A_4, %dma_wait3A] : memref<10240x64xf32, #tpu.memory_space<vmem_shared>> -> memref<640x64xf32, #tpu.memory_space<vmem_shared>>
      %dma_wait3A_22 = arith.constant 0 : i32
      %dma_wait3A_23 = tpu.memref_slice %arg2[%mul3A_2, %dma_wait3A_22] : memref<10240x64xf32, #tpu.memory_space<hbm>> -> memref<640x64xf32, #tpu.memory_space<hbm>>
      tpu.wait_dma2 semaphore(%run_scoped3A : memref<!tpu.dma_semaphore, #tpu.memory_space<semaphore_mem>>) src(%dma_wait3A_23 : memref<640x64xf32, #tpu.memory_space<hbm>>) dst(%dma_wait3A_21 : memref<640x64xf32, #tpu.memory_space<vmem_shared>>)
      tpu.yield
    }) : () -> ()
    %mul3A_5 = arith.constant 640 : i32
    %mul3A_6 = arith.muli %arg1, %mul3A_5 : i32
    %mul3A_7 = arith.constant 640 : i32
    %mul3A_8 = arith.muli %arg1, %mul3A_7 : i32
    "tpu.region"() ({
      %run_scoped3A = tpu.sem_alloc : memref<!tpu.dma_semaphore, #tpu.memory_space<semaphore_mem>>
      %dma_start3A = arith.constant 0 : i32
      %dma_start3A_18 = tpu.memref_slice %arg11[%mul3A_8, %dma_start3A] : memref<10240x64xf32, #tpu.memory_space<vmem_shared>> -> memref<640x64xf32, #tpu.memory_space<vmem_shared>>
      %dma_start3A_19 = arith.constant 0 : i32
      %dma_start3A_20 = tpu.memref_slice %arg5[%mul3A_6, %dma_start3A_19] : memref<10240x64xf32, #tpu.memory_space<hbm>> -> memref<640x64xf32, #tpu.memory_space<hbm>>
      tpu.enqueue_dma source(%dma_start3A_20 : memref<640x64xf32, #tpu.memory_space<hbm>>) target(%dma_start3A_18 : memref<640x64xf32, #tpu.memory_space<vmem_shared>>) target_semaphore(%run_scoped3A : memref<!tpu.dma_semaphore, #tpu.memory_space<semaphore_mem>>)
      %dma_wait3A = arith.constant 0 : i32
      %dma_wait3A_21 = tpu.memref_slice %arg11[%mul3A_8, %dma_wait3A] : memref<10240x64xf32, #tpu.memory_space<vmem_shared>> -> memref<640x64xf32, #tpu.memory_space<vmem_shared>>
      %dma_wait3A_22 = arith.constant 0 : i32
      %dma_wait3A_23 = tpu.memref_slice %arg5[%mul3A_6, %dma_wait3A_22] : memref<10240x64xf32, #tpu.memory_space<hbm>> -> memref<640x64xf32, #tpu.memory_space<hbm>>
      tpu.wait_dma2 semaphore(%run_scoped3A : memref<!tpu.dma_semaphore, #tpu.memory_space<semaphore_mem>>) src(%dma_wait3A_23 : memref<640x64xf32, #tpu.memory_space<hbm>>) dst(%dma_wait3A_21 : memref<640x64xf32, #tpu.memory_space<vmem_shared>>)
      tpu.yield
    }) : () -> ()
    "tpu.region"() ({
      %run_scoped3A = tpu.sem_alloc : memref<!tpu.dma_semaphore, #tpu.memory_space<semaphore_mem>>
      %dma_start3A = arith.constant 0 : i32
      %dma_start3A_18 = arith.constant 0 : i32
      %dma_start3A_19 = tpu.memref_slice %arg3[%add3A, %dma_start3A, %dma_start3A_18] : memref<32x80x128xi32, #tpu.memory_space<hbm>> -> memref<1x80x128xi32, #tpu.memory_space<hbm>>
      %dma_start3A_20 = tpu.memref_squeeze %dma_start3A_19 : memref<1x80x128xi32, #tpu.memory_space<hbm>> -> memref<80x128xi32, #tpu.memory_space<hbm>>
      %dma_start3A_21 = arith.constant 0 : i32
      %dma_start3A_22 = arith.constant 0 : i32
      %dma_start3A_23 = tpu.memref_slice %arg3[%add3A, %dma_start3A_21, %dma_start3A_22] : memref<32x80x128xi32, #tpu.memory_space<hbm>> -> memref<1x80x128xi32, #tpu.memory_space<hbm>>
      %dma_start3A_24 = tpu.memref_squeeze %dma_start3A_23 : memref<1x80x128xi32, #tpu.memory_space<hbm>> -> memref<80x128xi32, #tpu.memory_space<hbm>>
      tpu.enqueue_dma source(%dma_start3A_24 : memref<80x128xi32, #tpu.memory_space<hbm>>) target(%arg7 : memref<80x128xi32, #tpu.memory_space<vmem>>) target_semaphore(%run_scoped3A : memref<!tpu.dma_semaphore, #tpu.memory_space<semaphore_mem>>)
      %dma_wait3A = arith.constant 0 : i32
      %dma_wait3A_25 = arith.constant 0 : i32
      %dma_wait3A_26 = tpu.memref_slice %arg3[%add3A, %dma_wait3A, %dma_wait3A_25] : memref<32x80x128xi32, #tpu.memory_space<hbm>> -> memref<1x80x128xi32, #tpu.memory_space<hbm>>
      %dma_wait3A_27 = tpu.memref_squeeze %dma_wait3A_26 : memref<1x80x128xi32, #tpu.memory_space<hbm>> -> memref<80x128xi32, #tpu.memory_space<hbm>>
      %dma_wait3A_28 = arith.constant 0 : i32
      %dma_wait3A_29 = arith.constant 0 : i32
      %dma_wait3A_30 = tpu.memref_slice %arg3[%add3A, %dma_wait3A_28, %dma_wait3A_29] : memref<32x80x128xi32, #tpu.memory_space<hbm>> -> memref<1x80x128xi32, #tpu.memory_space<hbm>>
      %dma_wait3A_31 = tpu.memref_squeeze %dma_wait3A_30 : memref<1x80x128xi32, #tpu.memory_space<hbm>> -> memref<80x128xi32, #tpu.memory_space<hbm>>
      tpu.wait_dma2 semaphore(%run_scoped3A : memref<!tpu.dma_semaphore, #tpu.memory_space<semaphore_mem>>) src(%dma_wait3A_31 : memref<80x128xi32, #tpu.memory_space<hbm>>) dst(%arg7 : memref<80x128xi32, #tpu.memory_space<vmem>>)
      tpu.yield
    }) : () -> ()
    "tpu.region"() ({
      %run_scoped3A = tpu.sem_alloc : memref<!tpu.dma_semaphore, #tpu.memory_space<semaphore_mem>>
      %dma_start3A = arith.constant 0 : i32
      %dma_start3A_18 = arith.constant 0 : i32
      %dma_start3A_19 = tpu.memref_slice %arg4[%add3A, %dma_start3A, %dma_start3A_18] : memref<32x80x128xi32, #tpu.memory_space<hbm>> -> memref<1x80x128xi32, #tpu.memory_space<hbm>>
      %dma_start3A_20 = tpu.memref_squeeze %dma_start3A_19 : memref<1x80x128xi32, #tpu.memory_space<hbm>> -> memref<80x128xi32, #tpu.memory_space<hbm>>
      %dma_start3A_21 = arith.constant 0 : i32
      %dma_start3A_22 = arith.constant 0 : i32
      %dma_start3A_23 = tpu.memref_slice %arg4[%add3A, %dma_start3A_21, %dma_start3A_22] : memref<32x80x128xi32, #tpu.memory_space<hbm>> -> memref<1x80x128xi32, #tpu.memory_space<hbm>>
      %dma_start3A_24 = tpu.memref_squeeze %dma_start3A_23 : memref<1x80x128xi32, #tpu.memory_space<hbm>> -> memref<80x128xi32, #tpu.memory_space<hbm>>
      tpu.enqueue_dma source(%dma_start3A_24 : memref<80x128xi32, #tpu.memory_space<hbm>>) target(%arg8 : memref<80x128xi32, #tpu.memory_space<vmem>>) target_semaphore(%run_scoped3A : memref<!tpu.dma_semaphore, #tpu.memory_space<semaphore_mem>>)
      %dma_wait3A = arith.constant 0 : i32
      %dma_wait3A_25 = arith.constant 0 : i32
      %dma_wait3A_26 = tpu.memref_slice %arg4[%add3A, %dma_wait3A, %dma_wait3A_25] : memref<32x80x128xi32, #tpu.memory_space<hbm>> -> memref<1x80x128xi32, #tpu.memory_space<hbm>>
      %dma_wait3A_27 = tpu.memref_squeeze %dma_wait3A_26 : memref<1x80x128xi32, #tpu.memory_space<hbm>> -> memref<80x128xi32, #tpu.memory_space<hbm>>
      %dma_wait3A_28 = arith.constant 0 : i32
      %dma_wait3A_29 = arith.constant 0 : i32
      %dma_wait3A_30 = tpu.memref_slice %arg4[%add3A, %dma_wait3A_28, %dma_wait3A_29] : memref<32x80x128xi32, #tpu.memory_space<hbm>> -> memref<1x80x128xi32, #tpu.memory_space<hbm>>
      %dma_wait3A_31 = tpu.memref_squeeze %dma_wait3A_30 : memref<1x80x128xi32, #tpu.memory_space<hbm>> -> memref<80x128xi32, #tpu.memory_space<hbm>>
      tpu.wait_dma2 semaphore(%run_scoped3A : memref<!tpu.dma_semaphore, #tpu.memory_space<semaphore_mem>>) src(%dma_wait3A_31 : memref<80x128xi32, #tpu.memory_space<hbm>>) dst(%arg8 : memref<80x128xi32, #tpu.memory_space<vmem>>)
      tpu.yield
    }) : () -> ()
    %barrier3A = arith.constant 0 : index
    tpu.barrier barrier_id(%barrier3A)
    %scan3A = arith.constant 0 : i32
    %scan3A_9 = arith.constant 80 : i32
    %scan3A_10 = arith.addi %scan3A, %scan3A_9 : i32
    %scan3A_11 = arith.constant 1 : i32
    scf.for %scan3A_18 = %scan3A to %scan3A_10 step %scan3A_11  : i32 {
      %mul3A_19 = arith.constant 1 : i32
      %mul3A_20 = arith.muli %scan3A_18, %mul3A_19 : i32
      %add3A_21 = arith.constant 0 : i32
      %add3A_22 = arith.addi %add3A_21, %mul3A_20 : i32
      "tpu.region"() ({
        %run_scoped3A = tpu.sem_alloc : memref<!tpu.dma_semaphore, #tpu.memory_space<semaphore_mem>>
        %dma_start3A = arith.constant 0 : i32
        %dma_start3A_23 = tpu.memref_slice %arg7[%add3A_22, %dma_start3A] : memref<80x128xi32, #tpu.memory_space<vmem>> -> memref<1x128xi32, #tpu.memory_space<vmem>>
        %dma_start3A_24 = tpu.memref_squeeze %dma_start3A_23 : memref<1x128xi32, #tpu.memory_space<vmem>> -> memref<128xi32, #tpu.memory_space<vmem>>
        %dma_start3A_25 = arith.constant 0 : i32
        %dma_start3A_26 = arith.constant 0 : i32
        %dma_start3A_27 = tpu.memref_slice %arg10[%dma_start3A_25, %dma_start3A_26] : memref<10240x64xf32, #tpu.memory_space<vmem_shared>> -> memref<10240x64xf32, #tpu.memory_space<vmem_shared>>
        tpu.enqueue_indirect_dma source(%dma_start3A_27 : memref<10240x64xf32, #tpu.memory_space<vmem_shared>>) target(%arg9 : memref<128x64xf32, #tpu.memory_space<vmem>>) offsets(%dma_start3A_24 : memref<128xi32, #tpu.memory_space<vmem>>) semaphore(%run_scoped3A : memref<!tpu.dma_semaphore, #tpu.memory_space<semaphore_mem>>)
        %dma_wait3A = arith.constant 0 : i32
        %dma_wait3A_28 = tpu.memref_slice %arg7[%add3A_22, %dma_wait3A] : memref<80x128xi32, #tpu.memory_space<vmem>> -> memref<1x128xi32, #tpu.memory_space<vmem>>
        %dma_wait3A_29 = tpu.memref_squeeze %dma_wait3A_28 : memref<1x128xi32, #tpu.memory_space<vmem>> -> memref<128xi32, #tpu.memory_space<vmem>>
        %dma_wait3A_30 = arith.constant 0 : i32
        %dma_wait3A_31 = arith.constant 0 : i32
        %dma_wait3A_32 = tpu.memref_slice %arg10[%dma_wait3A_30, %dma_wait3A_31] : memref<10240x64xf32, #tpu.memory_space<vmem_shared>> -> memref<10240x64xf32, #tpu.memory_space<vmem_shared>>
        tpu.wait_indirect_dma semaphore(%run_scoped3A : memref<!tpu.dma_semaphore, #tpu.memory_space<semaphore_mem>>) src(%dma_wait3A_32 : memref<10240x64xf32, #tpu.memory_space<vmem_shared>>) dst(%arg9 : memref<128x64xf32, #tpu.memory_space<vmem>>)
        tpu.yield
      }) : () -> ()
      "tpu.region"() ({
        %run_scoped3A = tpu.sem_alloc : memref<!tpu.dma_semaphore, #tpu.memory_space<semaphore_mem>>
        %dma_start3A = arith.constant 0 : i32
        %dma_start3A_23 = tpu.memref_slice %arg8[%add3A_22, %dma_start3A] : memref<80x128xi32, #tpu.memory_space<vmem>> -> memref<1x128xi32, #tpu.memory_space<vmem>>
        %dma_start3A_24 = tpu.memref_squeeze %dma_start3A_23 : memref<1x128xi32, #tpu.memory_space<vmem>> -> memref<128xi32, #tpu.memory_space<vmem>>
        %dma_start3A_25 = arith.constant 0 : i32
        %dma_start3A_26 = arith.constant 0 : i32
        %dma_start3A_27 = tpu.memref_slice %arg11[%dma_start3A_25, %dma_start3A_26] : memref<10240x64xf32, #tpu.memory_space<vmem_shared>> -> memref<10240x64xf32, #tpu.memory_space<vmem_shared>>
        tpu.enqueue_indirect_dma source(%arg9 : memref<128x64xf32, #tpu.memory_space<vmem>>) target(%dma_start3A_27 : memref<10240x64xf32, #tpu.memory_space<vmem_shared>>) offsets(%dma_start3A_24 : memref<128xi32, #tpu.memory_space<vmem>>) semaphore(%run_scoped3A : memref<!tpu.dma_semaphore, #tpu.memory_space<semaphore_mem>>) {add = true}
        %dma_wait3A = arith.constant 0 : i32
        %dma_wait3A_28 = tpu.memref_slice %arg8[%add3A_22, %dma_wait3A] : memref<80x128xi32, #tpu.memory_space<vmem>> -> memref<1x128xi32, #tpu.memory_space<vmem>>
        %dma_wait3A_29 = tpu.memref_squeeze %dma_wait3A_28 : memref<1x128xi32, #tpu.memory_space<vmem>> -> memref<128xi32, #tpu.memory_space<vmem>>
        %dma_wait3A_30 = arith.constant 0 : i32
        %dma_wait3A_31 = arith.constant 0 : i32
        %dma_wait3A_32 = tpu.memref_slice %arg11[%dma_wait3A_30, %dma_wait3A_31] : memref<10240x64xf32, #tpu.memory_space<vmem_shared>> -> memref<10240x64xf32, #tpu.memory_space<vmem_shared>>
        tpu.wait_indirect_dma semaphore(%run_scoped3A : memref<!tpu.dma_semaphore, #tpu.memory_space<semaphore_mem>>) src(%arg9 : memref<128x64xf32, #tpu.memory_space<vmem>>) dst(%dma_wait3A_32 : memref<10240x64xf32, #tpu.memory_space<vmem_shared>>)
        tpu.yield
      }) : () -> ()
    }
    %scan3A_12 = arith.constant 80 : i32
    %barrier3A_13 = arith.constant 0 : index
    tpu.barrier barrier_id(%barrier3A_13)
    %mul3A_14 = arith.constant 640 : i32
    %mul3A_15 = arith.muli %arg1, %mul3A_14 : i32
    %mul3A_16 = arith.constant 640 : i32
    %mul3A_17 = arith.muli %arg1, %mul3A_16 : i32
    "tpu.region"() ({
      %run_scoped3A = tpu.sem_alloc : memref<!tpu.dma_semaphore, #tpu.memory_space<semaphore_mem>>
      %dma_start3A = arith.constant 0 : i32
      %dma_start3A_18 = tpu.memref_slice %arg6[%arg0, %mul3A_17, %dma_start3A] : memref<2x10240x64xf32, #tpu.memory_space<hbm>> -> memref<1x640x64xf32, #tpu.memory_space<hbm>>
      %dma_start3A_19 = tpu.memref_squeeze %dma_start3A_18 : memref<1x640x64xf32, #tpu.memory_space<hbm>> -> memref<640x64xf32, #tpu.memory_space<hbm>>
      %dma_start3A_20 = arith.constant 0 : i32
      %dma_start3A_21 = tpu.memref_slice %arg11[%mul3A_15, %dma_start3A_20] : memref<10240x64xf32, #tpu.memory_space<vmem_shared>> -> memref<640x64xf32, #tpu.memory_space<vmem_shared>>
      tpu.enqueue_dma source(%dma_start3A_21 : memref<640x64xf32, #tpu.memory_space<vmem_shared>>) target(%dma_start3A_19 : memref<640x64xf32, #tpu.memory_space<hbm>>) target_semaphore(%run_scoped3A : memref<!tpu.dma_semaphore, #tpu.memory_space<semaphore_mem>>)
      %dma_wait3A = arith.constant 0 : i32
      %dma_wait3A_22 = tpu.memref_slice %arg6[%arg0, %mul3A_17, %dma_wait3A] : memref<2x10240x64xf32, #tpu.memory_space<hbm>> -> memref<1x640x64xf32, #tpu.memory_space<hbm>>
      %dma_wait3A_23 = tpu.memref_squeeze %dma_wait3A_22 : memref<1x640x64xf32, #tpu.memory_space<hbm>> -> memref<640x64xf32, #tpu.memory_space<hbm>>
      %dma_wait3A_24 = arith.constant 0 : i32
      %dma_wait3A_25 = tpu.memref_slice %arg11[%mul3A_15, %dma_wait3A_24] : memref<10240x64xf32, #tpu.memory_space<vmem_shared>> -> memref<640x64xf32, #tpu.memory_space<vmem_shared>>
      tpu.wait_dma2 semaphore(%run_scoped3A : memref<!tpu.dma_semaphore, #tpu.memory_space<semaphore_mem>>) src(%dma_wait3A_25 : memref<640x64xf32, #tpu.memory_space<vmem_shared>>) dst(%dma_wait3A_23 : memref<640x64xf32, #tpu.memory_space<hbm>>)
      tpu.yield
    }) : () -> ()
    return
  }
}

#map = affine_map<(d0, d1) -> (0, 0, 0)>
#map1 = affine_map<(d0, d1) -> (0, 0)>
module attributes {stable_mosaic.version = 14 : i64} {
  func.func @_deg_kernel(%arg0: i32, %arg1: i32, %arg2: memref<32x80x128xi32, #tpu.memory_space<hbm>>, %arg3: memref<128x16xf32, #tpu.memory_space<hbm>>, %arg4: memref<10240x16xf32, #tpu.memory_space<hbm>>, %arg5: memref<2x10240x16xf32, #tpu.memory_space<hbm>>, %arg6: memref<80x128xi32, #tpu.memory_space<vmem>>, %arg7: memref<128x16xf32, #tpu.memory_space<vmem>>, %arg8: memref<10240x16xf32, #tpu.memory_space<vmem_shared>>) attributes {dimension_semantics = [#tpu.dimension_semantics<core_parallel>, #tpu.dimension_semantics<subcore_parallel>], iteration_bounds = array<i64: 2, 16>, scalar_prefetch = 0 : i64, scratch_operands = 3 : i64, tpu.core_type = #tpu.core_type<sc_vector_subcore>, window_params = [{transform_indices = #map}, {transform_indices = #map1}, {transform_indices = #map1}, {transform_indices = #map}]} {
    %mul3A = arith.constant 2 : i32
    %mul3A_0 = arith.muli %arg1, %mul3A : i32
    %add3A = arith.addi %mul3A_0, %arg0 : i32
    %mul3A_1 = arith.constant 640 : i32
    %mul3A_2 = arith.muli %arg1, %mul3A_1 : i32
    %mul3A_3 = arith.constant 640 : i32
    %mul3A_4 = arith.muli %arg1, %mul3A_3 : i32
    "tpu.region"() ({
      %run_scoped3A = tpu.sem_alloc : memref<!tpu.dma_semaphore, #tpu.memory_space<semaphore_mem>>
      %dma_start3A = arith.constant 0 : i32
      %dma_start3A_14 = tpu.memref_slice %arg8[%mul3A_4, %dma_start3A] : memref<10240x16xf32, #tpu.memory_space<vmem_shared>> -> memref<640x16xf32, #tpu.memory_space<vmem_shared>>
      %dma_start3A_15 = arith.constant 0 : i32
      %dma_start3A_16 = tpu.memref_slice %arg4[%mul3A_2, %dma_start3A_15] : memref<10240x16xf32, #tpu.memory_space<hbm>> -> memref<640x16xf32, #tpu.memory_space<hbm>>
      tpu.enqueue_dma source(%dma_start3A_16 : memref<640x16xf32, #tpu.memory_space<hbm>>) target(%dma_start3A_14 : memref<640x16xf32, #tpu.memory_space<vmem_shared>>) target_semaphore(%run_scoped3A : memref<!tpu.dma_semaphore, #tpu.memory_space<semaphore_mem>>)
      %dma_wait3A = arith.constant 0 : i32
      %dma_wait3A_17 = tpu.memref_slice %arg8[%mul3A_4, %dma_wait3A] : memref<10240x16xf32, #tpu.memory_space<vmem_shared>> -> memref<640x16xf32, #tpu.memory_space<vmem_shared>>
      %dma_wait3A_18 = arith.constant 0 : i32
      %dma_wait3A_19 = tpu.memref_slice %arg4[%mul3A_2, %dma_wait3A_18] : memref<10240x16xf32, #tpu.memory_space<hbm>> -> memref<640x16xf32, #tpu.memory_space<hbm>>
      tpu.wait_dma2 semaphore(%run_scoped3A : memref<!tpu.dma_semaphore, #tpu.memory_space<semaphore_mem>>) src(%dma_wait3A_19 : memref<640x16xf32, #tpu.memory_space<hbm>>) dst(%dma_wait3A_17 : memref<640x16xf32, #tpu.memory_space<vmem_shared>>)
      tpu.yield
    }) : () -> ()
    "tpu.region"() ({
      %run_scoped3A = tpu.sem_alloc : memref<!tpu.dma_semaphore, #tpu.memory_space<semaphore_mem>>
      %dma_start3A = arith.constant 0 : i32
      %dma_start3A_14 = arith.constant 0 : i32
      %dma_start3A_15 = tpu.memref_slice %arg2[%add3A, %dma_start3A, %dma_start3A_14] : memref<32x80x128xi32, #tpu.memory_space<hbm>> -> memref<1x80x128xi32, #tpu.memory_space<hbm>>
      %dma_start3A_16 = tpu.memref_squeeze %dma_start3A_15 : memref<1x80x128xi32, #tpu.memory_space<hbm>> -> memref<80x128xi32, #tpu.memory_space<hbm>>
      %dma_start3A_17 = arith.constant 0 : i32
      %dma_start3A_18 = arith.constant 0 : i32
      %dma_start3A_19 = tpu.memref_slice %arg2[%add3A, %dma_start3A_17, %dma_start3A_18] : memref<32x80x128xi32, #tpu.memory_space<hbm>> -> memref<1x80x128xi32, #tpu.memory_space<hbm>>
      %dma_start3A_20 = tpu.memref_squeeze %dma_start3A_19 : memref<1x80x128xi32, #tpu.memory_space<hbm>> -> memref<80x128xi32, #tpu.memory_space<hbm>>
      tpu.enqueue_dma source(%dma_start3A_20 : memref<80x128xi32, #tpu.memory_space<hbm>>) target(%arg6 : memref<80x128xi32, #tpu.memory_space<vmem>>) target_semaphore(%run_scoped3A : memref<!tpu.dma_semaphore, #tpu.memory_space<semaphore_mem>>)
      %dma_wait3A = arith.constant 0 : i32
      %dma_wait3A_21 = arith.constant 0 : i32
      %dma_wait3A_22 = tpu.memref_slice %arg2[%add3A, %dma_wait3A, %dma_wait3A_21] : memref<32x80x128xi32, #tpu.memory_space<hbm>> -> memref<1x80x128xi32, #tpu.memory_space<hbm>>
      %dma_wait3A_23 = tpu.memref_squeeze %dma_wait3A_22 : memref<1x80x128xi32, #tpu.memory_space<hbm>> -> memref<80x128xi32, #tpu.memory_space<hbm>>
      %dma_wait3A_24 = arith.constant 0 : i32
      %dma_wait3A_25 = arith.constant 0 : i32
      %dma_wait3A_26 = tpu.memref_slice %arg2[%add3A, %dma_wait3A_24, %dma_wait3A_25] : memref<32x80x128xi32, #tpu.memory_space<hbm>> -> memref<1x80x128xi32, #tpu.memory_space<hbm>>
      %dma_wait3A_27 = tpu.memref_squeeze %dma_wait3A_26 : memref<1x80x128xi32, #tpu.memory_space<hbm>> -> memref<80x128xi32, #tpu.memory_space<hbm>>
      tpu.wait_dma2 semaphore(%run_scoped3A : memref<!tpu.dma_semaphore, #tpu.memory_space<semaphore_mem>>) src(%dma_wait3A_27 : memref<80x128xi32, #tpu.memory_space<hbm>>) dst(%arg6 : memref<80x128xi32, #tpu.memory_space<vmem>>)
      tpu.yield
    }) : () -> ()
    "tpu.region"() ({
      %run_scoped3A = tpu.sem_alloc : memref<!tpu.dma_semaphore, #tpu.memory_space<semaphore_mem>>
      tpu.enqueue_dma source(%arg3 : memref<128x16xf32, #tpu.memory_space<hbm>>) target(%arg7 : memref<128x16xf32, #tpu.memory_space<vmem>>) target_semaphore(%run_scoped3A : memref<!tpu.dma_semaphore, #tpu.memory_space<semaphore_mem>>)
      tpu.wait_dma2 semaphore(%run_scoped3A : memref<!tpu.dma_semaphore, #tpu.memory_space<semaphore_mem>>) src(%arg3 : memref<128x16xf32, #tpu.memory_space<hbm>>) dst(%arg7 : memref<128x16xf32, #tpu.memory_space<vmem>>)
      tpu.yield
    }) : () -> ()
    %barrier3A = arith.constant 0 : index
    tpu.barrier barrier_id(%barrier3A)
    %scan3A = arith.constant 0 : i32
    %scan3A_5 = arith.constant 80 : i32
    %scan3A_6 = arith.addi %scan3A, %scan3A_5 : i32
    %scan3A_7 = arith.constant 1 : i32
    scf.for %scan3A_14 = %scan3A to %scan3A_6 step %scan3A_7  : i32 {
      %mul3A_15 = arith.constant 1 : i32
      %mul3A_16 = arith.muli %scan3A_14, %mul3A_15 : i32
      %add3A_17 = arith.constant 0 : i32
      %add3A_18 = arith.addi %add3A_17, %mul3A_16 : i32
      "tpu.region"() ({
        %run_scoped3A = tpu.sem_alloc : memref<!tpu.dma_semaphore, #tpu.memory_space<semaphore_mem>>
        %dma_start3A = arith.constant 0 : i32
        %dma_start3A_19 = tpu.memref_slice %arg6[%add3A_18, %dma_start3A] : memref<80x128xi32, #tpu.memory_space<vmem>> -> memref<1x128xi32, #tpu.memory_space<vmem>>
        %dma_start3A_20 = tpu.memref_squeeze %dma_start3A_19 : memref<1x128xi32, #tpu.memory_space<vmem>> -> memref<128xi32, #tpu.memory_space<vmem>>
        %dma_start3A_21 = arith.constant 0 : i32
        %dma_start3A_22 = arith.constant 0 : i32
        %dma_start3A_23 = tpu.memref_slice %arg8[%dma_start3A_21, %dma_start3A_22] : memref<10240x16xf32, #tpu.memory_space<vmem_shared>> -> memref<10240x16xf32, #tpu.memory_space<vmem_shared>>
        tpu.enqueue_indirect_dma source(%arg7 : memref<128x16xf32, #tpu.memory_space<vmem>>) target(%dma_start3A_23 : memref<10240x16xf32, #tpu.memory_space<vmem_shared>>) offsets(%dma_start3A_20 : memref<128xi32, #tpu.memory_space<vmem>>) semaphore(%run_scoped3A : memref<!tpu.dma_semaphore, #tpu.memory_space<semaphore_mem>>) {add = true}
        %dma_wait3A = arith.constant 0 : i32
        %dma_wait3A_24 = tpu.memref_slice %arg6[%add3A_18, %dma_wait3A] : memref<80x128xi32, #tpu.memory_space<vmem>> -> memref<1x128xi32, #tpu.memory_space<vmem>>
        %dma_wait3A_25 = tpu.memref_squeeze %dma_wait3A_24 : memref<1x128xi32, #tpu.memory_space<vmem>> -> memref<128xi32, #tpu.memory_space<vmem>>
        %dma_wait3A_26 = arith.constant 0 : i32
        %dma_wait3A_27 = arith.constant 0 : i32
        %dma_wait3A_28 = tpu.memref_slice %arg8[%dma_wait3A_26, %dma_wait3A_27] : memref<10240x16xf32, #tpu.memory_space<vmem_shared>> -> memref<10240x16xf32, #tpu.memory_space<vmem_shared>>
        tpu.wait_indirect_dma semaphore(%run_scoped3A : memref<!tpu.dma_semaphore, #tpu.memory_space<semaphore_mem>>) src(%arg7 : memref<128x16xf32, #tpu.memory_space<vmem>>) dst(%dma_wait3A_28 : memref<10240x16xf32, #tpu.memory_space<vmem_shared>>)
        tpu.yield
      }) : () -> ()
    }
    %scan3A_8 = arith.constant 80 : i32
    %barrier3A_9 = arith.constant 0 : index
    tpu.barrier barrier_id(%barrier3A_9)
    %mul3A_10 = arith.constant 640 : i32
    %mul3A_11 = arith.muli %arg1, %mul3A_10 : i32
    %mul3A_12 = arith.constant 640 : i32
    %mul3A_13 = arith.muli %arg1, %mul3A_12 : i32
    "tpu.region"() ({
      %run_scoped3A = tpu.sem_alloc : memref<!tpu.dma_semaphore, #tpu.memory_space<semaphore_mem>>
      %dma_start3A = arith.constant 0 : i32
      %dma_start3A_14 = tpu.memref_slice %arg5[%arg0, %mul3A_13, %dma_start3A] : memref<2x10240x16xf32, #tpu.memory_space<hbm>> -> memref<1x640x16xf32, #tpu.memory_space<hbm>>
      %dma_start3A_15 = tpu.memref_squeeze %dma_start3A_14 : memref<1x640x16xf32, #tpu.memory_space<hbm>> -> memref<640x16xf32, #tpu.memory_space<hbm>>
      %dma_start3A_16 = arith.constant 0 : i32
      %dma_start3A_17 = tpu.memref_slice %arg8[%mul3A_11, %dma_start3A_16] : memref<10240x16xf32, #tpu.memory_space<vmem_shared>> -> memref<640x16xf32, #tpu.memory_space<vmem_shared>>
      tpu.enqueue_dma source(%dma_start3A_17 : memref<640x16xf32, #tpu.memory_space<vmem_shared>>) target(%dma_start3A_15 : memref<640x16xf32, #tpu.memory_space<hbm>>) target_semaphore(%run_scoped3A : memref<!tpu.dma_semaphore, #tpu.memory_space<semaphore_mem>>)
      %dma_wait3A = arith.constant 0 : i32
      %dma_wait3A_18 = tpu.memref_slice %arg5[%arg0, %mul3A_13, %dma_wait3A] : memref<2x10240x16xf32, #tpu.memory_space<hbm>> -> memref<1x640x16xf32, #tpu.memory_space<hbm>>
      %dma_wait3A_19 = tpu.memref_squeeze %dma_wait3A_18 : memref<1x640x16xf32, #tpu.memory_space<hbm>> -> memref<640x16xf32, #tpu.memory_space<hbm>>
      %dma_wait3A_20 = arith.constant 0 : i32
      %dma_wait3A_21 = tpu.memref_slice %arg8[%mul3A_11, %dma_wait3A_20] : memref<10240x16xf32, #tpu.memory_space<vmem_shared>> -> memref<640x16xf32, #tpu.memory_space<vmem_shared>>
      tpu.wait_dma2 semaphore(%run_scoped3A : memref<!tpu.dma_semaphore, #tpu.memory_space<semaphore_mem>>) src(%dma_wait3A_21 : memref<640x16xf32, #tpu.memory_space<vmem_shared>>) dst(%dma_wait3A_19 : memref<640x16xf32, #tpu.memory_space<hbm>>)
      tpu.yield
    }) : () -> ()
    return
  }
}

#map = affine_map<(d0, d1) -> (0, 0)>
#map1 = affine_map<(d0, d1) -> (0, 0, 0)>
module attributes {stable_mosaic.version = 14 : i64} {
  func.func @_hop_kernel(%arg0: i32, %arg1: i32, %arg2: memref<10240x64xf32, #tpu.memory_space<hbm>>, %arg3: memref<32x80x128xi32, #tpu.memory_space<hbm>>, %arg4: memref<32x80x128xi32, #tpu.memory_space<hbm>>, %arg5: memref<10240x64xf32, #tpu.memory_space<hbm>>, %arg6: memref<2x10240x64xf32, #tpu.memory_space<hbm>>, %arg7: memref<80x128xi32, #tpu.memory_space<vmem>>, %arg8: memref<80x128xi32, #tpu.memory_space<vmem>>, %arg9: memref<128x64xf32, #tpu.memory_space<vmem>>, %arg10: memref<10240x64xf32, #tpu.memory_space<vmem_shared>>, %arg11: memref<10240x64xf32, #tpu.memory_space<vmem_shared>>) attributes {dimension_semantics = [#tpu.dimension_semantics<core_parallel>, #tpu.dimension_semantics<subcore_parallel>], iteration_bounds = array<i64: 2, 16>, scalar_prefetch = 0 : i64, scratch_operands = 5 : i64, tpu.core_type = #tpu.core_type<sc_vector_subcore>, window_params = [{transform_indices = #map}, {transform_indices = #map1}, {transform_indices = #map1}, {transform_indices = #map}, {transform_indices = #map1}]} {
    %mul3A = arith.constant 2 : i32
    %mul3A_0 = arith.muli %arg1, %mul3A : i32
    %add3A = arith.addi %mul3A_0, %arg0 : i32
    %mul3A_1 = arith.constant 640 : i32
    %mul3A_2 = arith.muli %arg1, %mul3A_1 : i32
    %mul3A_3 = arith.constant 640 : i32
    %mul3A_4 = arith.muli %arg1, %mul3A_3 : i32
    "tpu.region"() ({
      %run_scoped3A = tpu.sem_alloc : memref<!tpu.dma_semaphore, #tpu.memory_space<semaphore_mem>>
      %dma_start3A = arith.constant 0 : i32
      %dma_start3A_18 = tpu.memref_slice %arg10[%mul3A_4, %dma_start3A] : memref<10240x64xf32, #tpu.memory_space<vmem_shared>> -> memref<640x64xf32, #tpu.memory_space<vmem_shared>>
      %dma_start3A_19 = arith.constant 0 : i32
      %dma_start3A_20 = tpu.memref_slice %arg2[%mul3A_2, %dma_start3A_19] : memref<10240x64xf32, #tpu.memory_space<hbm>> -> memref<640x64xf32, #tpu.memory_space<hbm>>
      tpu.enqueue_dma source(%dma_start3A_20 : memref<640x64xf32, #tpu.memory_space<hbm>>) target(%dma_start3A_18 : memref<640x64xf32, #tpu.memory_space<vmem_shared>>) target_semaphore(%run_scoped3A : memref<!tpu.dma_semaphore, #tpu.memory_space<semaphore_mem>>)
      %dma_wait3A = arith.constant 0 : i32
      %dma_wait3A_21 = tpu.memref_slice %arg10[%mul3A_4, %dma_wait3A] : memref<10240x64xf32, #tpu.memory_space<vmem_shared>> -> memref<640x64xf32, #tpu.memory_space<vmem_shared>>
      %dma_wait3A_22 = arith.constant 0 : i32
      %dma_wait3A_23 = tpu.memref_slice %arg2[%mul3A_2, %dma_wait3A_22] : memref<10240x64xf32, #tpu.memory_space<hbm>> -> memref<640x64xf32, #tpu.memory_space<hbm>>
      tpu.wait_dma2 semaphore(%run_scoped3A : memref<!tpu.dma_semaphore, #tpu.memory_space<semaphore_mem>>) src(%dma_wait3A_23 : memref<640x64xf32, #tpu.memory_space<hbm>>) dst(%dma_wait3A_21 : memref<640x64xf32, #tpu.memory_space<vmem_shared>>)
      tpu.yield
    }) : () -> ()
    %mul3A_5 = arith.constant 640 : i32
    %mul3A_6 = arith.muli %arg1, %mul3A_5 : i32
    %mul3A_7 = arith.constant 640 : i32
    %mul3A_8 = arith.muli %arg1, %mul3A_7 : i32
    "tpu.region"() ({
      %run_scoped3A = tpu.sem_alloc : memref<!tpu.dma_semaphore, #tpu.memory_space<semaphore_mem>>
      %dma_start3A = arith.constant 0 : i32
      %dma_start3A_18 = tpu.memref_slice %arg11[%mul3A_8, %dma_start3A] : memref<10240x64xf32, #tpu.memory_space<vmem_shared>> -> memref<640x64xf32, #tpu.memory_space<vmem_shared>>
      %dma_start3A_19 = arith.constant 0 : i32
      %dma_start3A_20 = tpu.memref_slice %arg5[%mul3A_6, %dma_start3A_19] : memref<10240x64xf32, #tpu.memory_space<hbm>> -> memref<640x64xf32, #tpu.memory_space<hbm>>
      tpu.enqueue_dma source(%dma_start3A_20 : memref<640x64xf32, #tpu.memory_space<hbm>>) target(%dma_start3A_18 : memref<640x64xf32, #tpu.memory_space<vmem_shared>>) target_semaphore(%run_scoped3A : memref<!tpu.dma_semaphore, #tpu.memory_space<semaphore_mem>>)
      %dma_wait3A = arith.constant 0 : i32
      %dma_wait3A_21 = tpu.memref_slice %arg11[%mul3A_8, %dma_wait3A] : memref<10240x64xf32, #tpu.memory_space<vmem_shared>> -> memref<640x64xf32, #tpu.memory_space<vmem_shared>>
      %dma_wait3A_22 = arith.constant 0 : i32
      %dma_wait3A_23 = tpu.memref_slice %arg5[%mul3A_6, %dma_wait3A_22] : memref<10240x64xf32, #tpu.memory_space<hbm>> -> memref<640x64xf32, #tpu.memory_space<hbm>>
      tpu.wait_dma2 semaphore(%run_scoped3A : memref<!tpu.dma_semaphore, #tpu.memory_space<semaphore_mem>>) src(%dma_wait3A_23 : memref<640x64xf32, #tpu.memory_space<hbm>>) dst(%dma_wait3A_21 : memref<640x64xf32, #tpu.memory_space<vmem_shared>>)
      tpu.yield
    }) : () -> ()
    "tpu.region"() ({
      %run_scoped3A = tpu.sem_alloc : memref<!tpu.dma_semaphore, #tpu.memory_space<semaphore_mem>>
      %dma_start3A = arith.constant 0 : i32
      %dma_start3A_18 = arith.constant 0 : i32
      %dma_start3A_19 = tpu.memref_slice %arg3[%add3A, %dma_start3A, %dma_start3A_18] : memref<32x80x128xi32, #tpu.memory_space<hbm>> -> memref<1x80x128xi32, #tpu.memory_space<hbm>>
      %dma_start3A_20 = tpu.memref_squeeze %dma_start3A_19 : memref<1x80x128xi32, #tpu.memory_space<hbm>> -> memref<80x128xi32, #tpu.memory_space<hbm>>
      %dma_start3A_21 = arith.constant 0 : i32
      %dma_start3A_22 = arith.constant 0 : i32
      %dma_start3A_23 = tpu.memref_slice %arg3[%add3A, %dma_start3A_21, %dma_start3A_22] : memref<32x80x128xi32, #tpu.memory_space<hbm>> -> memref<1x80x128xi32, #tpu.memory_space<hbm>>
      %dma_start3A_24 = tpu.memref_squeeze %dma_start3A_23 : memref<1x80x128xi32, #tpu.memory_space<hbm>> -> memref<80x128xi32, #tpu.memory_space<hbm>>
      tpu.enqueue_dma source(%dma_start3A_24 : memref<80x128xi32, #tpu.memory_space<hbm>>) target(%arg7 : memref<80x128xi32, #tpu.memory_space<vmem>>) target_semaphore(%run_scoped3A : memref<!tpu.dma_semaphore, #tpu.memory_space<semaphore_mem>>)
      %dma_wait3A = arith.constant 0 : i32
      %dma_wait3A_25 = arith.constant 0 : i32
      %dma_wait3A_26 = tpu.memref_slice %arg3[%add3A, %dma_wait3A, %dma_wait3A_25] : memref<32x80x128xi32, #tpu.memory_space<hbm>> -> memref<1x80x128xi32, #tpu.memory_space<hbm>>
      %dma_wait3A_27 = tpu.memref_squeeze %dma_wait3A_26 : memref<1x80x128xi32, #tpu.memory_space<hbm>> -> memref<80x128xi32, #tpu.memory_space<hbm>>
      %dma_wait3A_28 = arith.constant 0 : i32
      %dma_wait3A_29 = arith.constant 0 : i32
      %dma_wait3A_30 = tpu.memref_slice %arg3[%add3A, %dma_wait3A_28, %dma_wait3A_29] : memref<32x80x128xi32, #tpu.memory_space<hbm>> -> memref<1x80x128xi32, #tpu.memory_space<hbm>>
      %dma_wait3A_31 = tpu.memref_squeeze %dma_wait3A_30 : memref<1x80x128xi32, #tpu.memory_space<hbm>> -> memref<80x128xi32, #tpu.memory_space<hbm>>
      tpu.wait_dma2 semaphore(%run_scoped3A : memref<!tpu.dma_semaphore, #tpu.memory_space<semaphore_mem>>) src(%dma_wait3A_31 : memref<80x128xi32, #tpu.memory_space<hbm>>) dst(%arg7 : memref<80x128xi32, #tpu.memory_space<vmem>>)
      tpu.yield
    }) : () -> ()
    "tpu.region"() ({
      %run_scoped3A = tpu.sem_alloc : memref<!tpu.dma_semaphore, #tpu.memory_space<semaphore_mem>>
      %dma_start3A = arith.constant 0 : i32
      %dma_start3A_18 = arith.constant 0 : i32
      %dma_start3A_19 = tpu.memref_slice %arg4[%add3A, %dma_start3A, %dma_start3A_18] : memref<32x80x128xi32, #tpu.memory_space<hbm>> -> memref<1x80x128xi32, #tpu.memory_space<hbm>>
      %dma_start3A_20 = tpu.memref_squeeze %dma_start3A_19 : memref<1x80x128xi32, #tpu.memory_space<hbm>> -> memref<80x128xi32, #tpu.memory_space<hbm>>
      %dma_start3A_21 = arith.constant 0 : i32
      %dma_start3A_22 = arith.constant 0 : i32
      %dma_start3A_23 = tpu.memref_slice %arg4[%add3A, %dma_start3A_21, %dma_start3A_22] : memref<32x80x128xi32, #tpu.memory_space<hbm>> -> memref<1x80x128xi32, #tpu.memory_space<hbm>>
      %dma_start3A_24 = tpu.memref_squeeze %dma_start3A_23 : memref<1x80x128xi32, #tpu.memory_space<hbm>> -> memref<80x128xi32, #tpu.memory_space<hbm>>
      tpu.enqueue_dma source(%dma_start3A_24 : memref<80x128xi32, #tpu.memory_space<hbm>>) target(%arg8 : memref<80x128xi32, #tpu.memory_space<vmem>>) target_semaphore(%run_scoped3A : memref<!tpu.dma_semaphore, #tpu.memory_space<semaphore_mem>>)
      %dma_wait3A = arith.constant 0 : i32
      %dma_wait3A_25 = arith.constant 0 : i32
      %dma_wait3A_26 = tpu.memref_slice %arg4[%add3A, %dma_wait3A, %dma_wait3A_25] : memref<32x80x128xi32, #tpu.memory_space<hbm>> -> memref<1x80x128xi32, #tpu.memory_space<hbm>>
      %dma_wait3A_27 = tpu.memref_squeeze %dma_wait3A_26 : memref<1x80x128xi32, #tpu.memory_space<hbm>> -> memref<80x128xi32, #tpu.memory_space<hbm>>
      %dma_wait3A_28 = arith.constant 0 : i32
      %dma_wait3A_29 = arith.constant 0 : i32
      %dma_wait3A_30 = tpu.memref_slice %arg4[%add3A, %dma_wait3A_28, %dma_wait3A_29] : memref<32x80x128xi32, #tpu.memory_space<hbm>> -> memref<1x80x128xi32, #tpu.memory_space<hbm>>
      %dma_wait3A_31 = tpu.memref_squeeze %dma_wait3A_30 : memref<1x80x128xi32, #tpu.memory_space<hbm>> -> memref<80x128xi32, #tpu.memory_space<hbm>>
      tpu.wait_dma2 semaphore(%run_scoped3A : memref<!tpu.dma_semaphore, #tpu.memory_space<semaphore_mem>>) src(%dma_wait3A_31 : memref<80x128xi32, #tpu.memory_space<hbm>>) dst(%arg8 : memref<80x128xi32, #tpu.memory_space<vmem>>)
      tpu.yield
    }) : () -> ()
    %barrier3A = arith.constant 0 : index
    tpu.barrier barrier_id(%barrier3A)
    %scan3A = arith.constant 0 : i32
    %scan3A_9 = arith.constant 80 : i32
    %scan3A_10 = arith.addi %scan3A, %scan3A_9 : i32
    %scan3A_11 = arith.constant 1 : i32
    scf.for %scan3A_18 = %scan3A to %scan3A_10 step %scan3A_11  : i32 {
      %mul3A_19 = arith.constant 1 : i32
      %mul3A_20 = arith.muli %scan3A_18, %mul3A_19 : i32
      %add3A_21 = arith.constant 0 : i32
      %add3A_22 = arith.addi %add3A_21, %mul3A_20 : i32
      "tpu.region"() ({
        %run_scoped3A = tpu.sem_alloc : memref<!tpu.dma_semaphore, #tpu.memory_space<semaphore_mem>>
        %dma_start3A = arith.constant 0 : i32
        %dma_start3A_23 = tpu.memref_slice %arg7[%add3A_22, %dma_start3A] : memref<80x128xi32, #tpu.memory_space<vmem>> -> memref<1x128xi32, #tpu.memory_space<vmem>>
        %dma_start3A_24 = tpu.memref_squeeze %dma_start3A_23 : memref<1x128xi32, #tpu.memory_space<vmem>> -> memref<128xi32, #tpu.memory_space<vmem>>
        %dma_start3A_25 = arith.constant 0 : i32
        %dma_start3A_26 = arith.constant 0 : i32
        %dma_start3A_27 = tpu.memref_slice %arg10[%dma_start3A_25, %dma_start3A_26] : memref<10240x64xf32, #tpu.memory_space<vmem_shared>> -> memref<10240x64xf32, #tpu.memory_space<vmem_shared>>
        tpu.enqueue_indirect_dma source(%dma_start3A_27 : memref<10240x64xf32, #tpu.memory_space<vmem_shared>>) target(%arg9 : memref<128x64xf32, #tpu.memory_space<vmem>>) offsets(%dma_start3A_24 : memref<128xi32, #tpu.memory_space<vmem>>) semaphore(%run_scoped3A : memref<!tpu.dma_semaphore, #tpu.memory_space<semaphore_mem>>)
        %dma_wait3A = arith.constant 0 : i32
        %dma_wait3A_28 = tpu.memref_slice %arg7[%add3A_22, %dma_wait3A] : memref<80x128xi32, #tpu.memory_space<vmem>> -> memref<1x128xi32, #tpu.memory_space<vmem>>
        %dma_wait3A_29 = tpu.memref_squeeze %dma_wait3A_28 : memref<1x128xi32, #tpu.memory_space<vmem>> -> memref<128xi32, #tpu.memory_space<vmem>>
        %dma_wait3A_30 = arith.constant 0 : i32
        %dma_wait3A_31 = arith.constant 0 : i32
        %dma_wait3A_32 = tpu.memref_slice %arg10[%dma_wait3A_30, %dma_wait3A_31] : memref<10240x64xf32, #tpu.memory_space<vmem_shared>> -> memref<10240x64xf32, #tpu.memory_space<vmem_shared>>
        tpu.wait_indirect_dma semaphore(%run_scoped3A : memref<!tpu.dma_semaphore, #tpu.memory_space<semaphore_mem>>) src(%dma_wait3A_32 : memref<10240x64xf32, #tpu.memory_space<vmem_shared>>) dst(%arg9 : memref<128x64xf32, #tpu.memory_space<vmem>>)
        tpu.yield
      }) : () -> ()
      "tpu.region"() ({
        %run_scoped3A = tpu.sem_alloc : memref<!tpu.dma_semaphore, #tpu.memory_space<semaphore_mem>>
        %dma_start3A = arith.constant 0 : i32
        %dma_start3A_23 = tpu.memref_slice %arg8[%add3A_22, %dma_start3A] : memref<80x128xi32, #tpu.memory_space<vmem>> -> memref<1x128xi32, #tpu.memory_space<vmem>>
        %dma_start3A_24 = tpu.memref_squeeze %dma_start3A_23 : memref<1x128xi32, #tpu.memory_space<vmem>> -> memref<128xi32, #tpu.memory_space<vmem>>
        %dma_start3A_25 = arith.constant 0 : i32
        %dma_start3A_26 = arith.constant 0 : i32
        %dma_start3A_27 = tpu.memref_slice %arg11[%dma_start3A_25, %dma_start3A_26] : memref<10240x64xf32, #tpu.memory_space<vmem_shared>> -> memref<10240x64xf32, #tpu.memory_space<vmem_shared>>
        tpu.enqueue_indirect_dma source(%arg9 : memref<128x64xf32, #tpu.memory_space<vmem>>) target(%dma_start3A_27 : memref<10240x64xf32, #tpu.memory_space<vmem_shared>>) offsets(%dma_start3A_24 : memref<128xi32, #tpu.memory_space<vmem>>) semaphore(%run_scoped3A : memref<!tpu.dma_semaphore, #tpu.memory_space<semaphore_mem>>) {add = true}
        %dma_wait3A = arith.constant 0 : i32
        %dma_wait3A_28 = tpu.memref_slice %arg8[%add3A_22, %dma_wait3A] : memref<80x128xi32, #tpu.memory_space<vmem>> -> memref<1x128xi32, #tpu.memory_space<vmem>>
        %dma_wait3A_29 = tpu.memref_squeeze %dma_wait3A_28 : memref<1x128xi32, #tpu.memory_space<vmem>> -> memref<128xi32, #tpu.memory_space<vmem>>
        %dma_wait3A_30 = arith.constant 0 : i32
        %dma_wait3A_31 = arith.constant 0 : i32
        %dma_wait3A_32 = tpu.memref_slice %arg11[%dma_wait3A_30, %dma_wait3A_31] : memref<10240x64xf32, #tpu.memory_space<vmem_shared>> -> memref<10240x64xf32, #tpu.memory_space<vmem_shared>>
        tpu.wait_indirect_dma semaphore(%run_scoped3A : memref<!tpu.dma_semaphore, #tpu.memory_space<semaphore_mem>>) src(%arg9 : memref<128x64xf32, #tpu.memory_space<vmem>>) dst(%dma_wait3A_32 : memref<10240x64xf32, #tpu.memory_space<vmem_shared>>)
        tpu.yield
      }) : () -> ()
    }
    %scan3A_12 = arith.constant 80 : i32
    %barrier3A_13 = arith.constant 0 : index
    tpu.barrier barrier_id(%barrier3A_13)
    %mul3A_14 = arith.constant 640 : i32
    %mul3A_15 = arith.muli %arg1, %mul3A_14 : i32
    %mul3A_16 = arith.constant 640 : i32
    %mul3A_17 = arith.muli %arg1, %mul3A_16 : i32
    "tpu.region"() ({
      %run_scoped3A = tpu.sem_alloc : memref<!tpu.dma_semaphore, #tpu.memory_space<semaphore_mem>>
      %dma_start3A = arith.constant 0 : i32
      %dma_start3A_18 = tpu.memref_slice %arg6[%arg0, %mul3A_17, %dma_start3A] : memref<2x10240x64xf32, #tpu.memory_space<hbm>> -> memref<1x640x64xf32, #tpu.memory_space<hbm>>
      %dma_start3A_19 = tpu.memref_squeeze %dma_start3A_18 : memref<1x640x64xf32, #tpu.memory_space<hbm>> -> memref<640x64xf32, #tpu.memory_space<hbm>>
      %dma_start3A_20 = arith.constant 0 : i32
      %dma_start3A_21 = tpu.memref_slice %arg11[%mul3A_15, %dma_start3A_20] : memref<10240x64xf32, #tpu.memory_space<vmem_shared>> -> memref<640x64xf32, #tpu.memory_space<vmem_shared>>
      tpu.enqueue_dma source(%dma_start3A_21 : memref<640x64xf32, #tpu.memory_space<vmem_shared>>) target(%dma_start3A_19 : memref<640x64xf32, #tpu.memory_space<hbm>>) target_semaphore(%run_scoped3A : memref<!tpu.dma_semaphore, #tpu.memory_space<semaphore_mem>>)
      %dma_wait3A = arith.constant 0 : i32
      %dma_wait3A_22 = tpu.memref_slice %arg6[%arg0, %mul3A_17, %dma_wait3A] : memref<2x10240x64xf32, #tpu.memory_space<hbm>> -> memref<1x640x64xf32, #tpu.memory_space<hbm>>
      %dma_wait3A_23 = tpu.memref_squeeze %dma_wait3A_22 : memref<1x640x64xf32, #tpu.memory_space<hbm>> -> memref<640x64xf32, #tpu.memory_space<hbm>>
      %dma_wait3A_24 = arith.constant 0 : i32
      %dma_wait3A_25 = tpu.memref_slice %arg11[%mul3A_15, %dma_wait3A_24] : memref<10240x64xf32, #tpu.memory_space<vmem_shared>> -> memref<640x64xf32, #tpu.memory_space<vmem_shared>>
      tpu.wait_dma2 semaphore(%run_scoped3A : memref<!tpu.dma_semaphore, #tpu.memory_space<semaphore_mem>>) src(%dma_wait3A_25 : memref<640x64xf32, #tpu.memory_space<vmem_shared>>) dst(%dma_wait3A_23 : memref<640x64xf32, #tpu.memory_space<hbm>>)
      tpu.yield
    }) : () -> ()
    return
  }
}

module attributes {stable_mosaic.version = 14 : i64} {
  func.func @_mm_body(%arg0: i32, %arg1: memref<1024x128xf32, #tpu.memory_space<vmem>>, %arg2: memref<64x128xf32, #tpu.memory_space<vmem>>, %arg3: memref<1024x64xf32, #tpu.memory_space<vmem>>) attributes {dimension_semantics = [#tpu.dimension_semantics<arbitrary>], iteration_bounds = array<i64: 10>, scalar_prefetch = 0 : i64, scratch_operands = 0 : i64, tpu.core_type = #tpu.core_type<tc>, window_params = [{transform_indices = @transform_0, window_bounds = array<i64: 1024, 128>}, {pipeline_mode = #tpu.pipeline_mode<synchronous>, transform_indices = @transform_1, window_bounds = array<i64: 64, 128>}, {transform_indices = @transform_2, window_bounds = array<i64: 1024, 64>}]} {
    %get3A = arith.constant 0 : index
    %get3A_0 = arith.constant 0 : index
    %get3A_1 = vector.load %arg1[%get3A, %get3A_0] : memref<1024x128xf32, #tpu.memory_space<vmem>>, vector<1024x128xf32>
    %get3A_2 = arith.constant 0 : index
    %get3A_3 = arith.constant 0 : index
    %get3A_4 = vector.load %arg2[%get3A_2, %get3A_3] : memref<64x128xf32, #tpu.memory_space<vmem>>, vector<64x128xf32>
    %dot_general3A = arith.constant dense<0.000000e+00> : vector<1024x64xf32>
    %dot_general3A_5 = tpu.matmul %get3A_1, %get3A_4, %dot_general3A {dimension_numbers = #tpu.dot_dimension_numbers<[1], [1], [0], [0], [0, 0, 1, 0], [], []>, precision = #tpu.contract_precision<fp32>, transpose_lhs_hint = false} : vector<1024x128xf32>, vector<64x128xf32>, vector<1024x64xf32> -> vector<1024x64xf32>
    %swap3A = arith.constant 0 : index
    %swap3A_6 = arith.constant 0 : index
    %swap3A_7 = vector.load %arg3[%swap3A, %swap3A_6] : memref<1024x64xf32, #tpu.memory_space<vmem>>, vector<1024x64xf32>
    tpu.vector_store %arg3[%swap3A, %swap3A_6], %dot_general3A_5 {strides = array<i32>} : memref<1024x64xf32, #tpu.memory_space<vmem>>, vector<1024x64xf32>,
    return
  }
  func.func @transform_0(%arg0: i32) -> (i32, i32) {
    %c0_i32 = arith.constant 0 : i32
    %c0_i32_0 = arith.constant 0 : i32
    return %arg0, %c0_i32 : i32, i32
  }
  func.func @transform_1(%arg0: i32) -> (i32, i32) {
    %c0_i32 = arith.constant 0 : i32
    %c0_i32_0 = arith.constant 0 : i32
    %c0_i32_1 = arith.constant 0 : i32
    return %c0_i32, %c0_i32_0 : i32, i32
  }
  func.func @transform_2(%arg0: i32) -> (i32, i32) {
    %c0_i32 = arith.constant 0 : i32
    %c0_i32_0 = arith.constant 0 : i32
    return %arg0, %c0_i32 : i32, i32
  }
}

module attributes {stable_mosaic.version = 14 : i64} {
  func.func @_scale_body(%arg0: i32, %arg1: memref<1024x64xf32, #tpu.memory_space<vmem>>, %arg2: memref<2x1024x16xf32, #tpu.memory_space<vmem>>, %arg3: memref<1024x64xf32, #tpu.memory_space<vmem>>) attributes {dimension_semantics = [#tpu.dimension_semantics<arbitrary>], iteration_bounds = array<i64: 10>, scalar_prefetch = 0 : i64, scratch_operands = 0 : i64, tpu.core_type = #tpu.core_type<tc>, window_params = [{transform_indices = @transform_0, window_bounds = array<i64: 1024, 64>}, {transform_indices = @transform_1, window_bounds = array<i64: 2, 1024, 16>}, {transform_indices = @transform_2, window_bounds = array<i64: 1024, 64>}]} {
    %get3A = arith.constant 0 : index
    %get3A_0 = arith.constant 0 : index
    %get3A_1 = vector.load %arg1[%get3A, %get3A_0] : memref<1024x64xf32, #tpu.memory_space<vmem>>, vector<1024x64xf32>
    %get3A_2 = arith.constant 0 : index
    %get3A_3 = arith.constant 0 : index
    %get3A_4 = arith.constant 0 : index
    %get3A_5 = vector.load %arg2[%get3A_2, %get3A_3, %get3A_4] : memref<2x1024x16xf32, #tpu.memory_space<vmem>>, vector<1x1024x1xf32>
    %get3A_6 = vector.shape_cast %get3A_5 : vector<1x1024x1xf32> to vector<1024x1xf32>
    %get3A_7 = arith.constant 1 : index
    %get3A_8 = arith.constant 0 : index
    %get3A_9 = arith.constant 0 : index
    %get3A_10 = vector.load %arg2[%get3A_7, %get3A_8, %get3A_9] : memref<2x1024x16xf32, #tpu.memory_space<vmem>>, vector<1x1024x1xf32>
    %get3A_11 = vector.shape_cast %get3A_10 : vector<1x1024x1xf32> to vector<1024x1xf32>
    %add3A = arith.addf %get3A_6, %get3A_11 : vector<1024x1xf32>
    %add3A_12 = arith.constant 1.000000e+00 : f32
    %add3A_13 = vector.broadcast %add3A_12 : f32 to vector<1024x1xf32>
    %add3A_14 = arith.addf %add3A, %add3A_13 : vector<1024x1xf32>
    %rsqrt3A = math.rsqrt %add3A_14 : vector<1024x1xf32>
    %mul3A = vector.broadcast %rsqrt3A : vector<1024x1xf32> to vector<1024x64xf32>
    %mul3A_15 = arith.mulf %get3A_1, %mul3A : vector<1024x64xf32>
    %swap3A = arith.constant 0 : index
    %swap3A_16 = arith.constant 0 : index
    %swap3A_17 = vector.load %arg3[%swap3A, %swap3A_16] : memref<1024x64xf32, #tpu.memory_space<vmem>>, vector<1024x64xf32>
    tpu.vector_store %arg3[%swap3A, %swap3A_16], %mul3A_15 {strides = array<i32>} : memref<1024x64xf32, #tpu.memory_space<vmem>>, vector<1024x64xf32>,
    return
  }
  func.func @transform_0(%arg0: i32) -> (i32, i32) {
    %c0_i32 = arith.constant 0 : i32
    %c0_i32_0 = arith.constant 0 : i32
    return %arg0, %c0_i32 : i32, i32
  }
  func.func @transform_1(%arg0: i32) -> (i32, i32, i32) {
    %c0_i32 = arith.constant 0 : i32
    %c0_i32_0 = arith.constant 0 : i32
    %c0_i32_1 = arith.constant 0 : i32
    return %c0_i32, %arg0, %c0_i32_0 : i32, i32, i32
  }
  func.func @transform_2(%arg0: i32) -> (i32, i32) {
    %c0_i32 = arith.constant 0 : i32
    %c0_i32_0 = arith.constant 0 : i32
    return %arg0, %c0_i32 : i32, i32
  }
}

module attributes {stable_mosaic.version = 14 : i64} {
  func.func @_mid_body(%arg0: i32, %arg1: memref<2x1024x64xf32, #tpu.memory_space<vmem>>, %arg2: memref<1024x64xf32, #tpu.memory_space<vmem>>, %arg3: memref<2x1024x16xf32, #tpu.memory_space<vmem>>, %arg4: memref<1024x64xf32, #tpu.memory_space<vmem>>) attributes {dimension_semantics = [#tpu.dimension_semantics<arbitrary>], iteration_bounds = array<i64: 10>, scalar_prefetch = 0 : i64, scratch_operands = 0 : i64, tpu.core_type = #tpu.core_type<tc>, window_params = [{transform_indices = @transform_0, window_bounds = array<i64: 2, 1024, 64>}, {transform_indices = @transform_1, window_bounds = array<i64: 1024, 64>}, {transform_indices = @transform_2, window_bounds = array<i64: 2, 1024, 16>}, {transform_indices = @transform_3, window_bounds = array<i64: 1024, 64>}]} {
    %get3A = arith.constant 0 : index
    %get3A_0 = arith.constant 0 : index
    %get3A_1 = arith.constant 0 : index
    %get3A_2 = vector.load %arg1[%get3A, %get3A_0, %get3A_1] : memref<2x1024x64xf32, #tpu.memory_space<vmem>>, vector<1x1024x64xf32>
    %get3A_3 = vector.shape_cast %get3A_2 : vector<1x1024x64xf32> to vector<1024x64xf32>
    %get3A_4 = arith.constant 1 : index
    %get3A_5 = arith.constant 0 : index
    %get3A_6 = arith.constant 0 : index
    %get3A_7 = vector.load %arg1[%get3A_4, %get3A_5, %get3A_6] : memref<2x1024x64xf32, #tpu.memory_space<vmem>>, vector<1x1024x64xf32>
    %get3A_8 = vector.shape_cast %get3A_7 : vector<1x1024x64xf32> to vector<1024x64xf32>
    %add3A = arith.addf %get3A_3, %get3A_8 : vector<1024x64xf32>
    %get3A_9 = arith.constant 0 : index
    %get3A_10 = arith.constant 0 : index
    %get3A_11 = vector.load %arg2[%get3A_9, %get3A_10] : memref<1024x64xf32, #tpu.memory_space<vmem>>, vector<1024x64xf32>
    %add3A_12 = arith.addf %add3A, %get3A_11 : vector<1024x64xf32>
    %get3A_13 = arith.constant 0 : index
    %get3A_14 = arith.constant 0 : index
    %get3A_15 = arith.constant 0 : index
    %get3A_16 = vector.load %arg3[%get3A_13, %get3A_14, %get3A_15] : memref<2x1024x16xf32, #tpu.memory_space<vmem>>, vector<1x1024x1xf32>
    %get3A_17 = vector.shape_cast %get3A_16 : vector<1x1024x1xf32> to vector<1024x1xf32>
    %get3A_18 = arith.constant 1 : index
    %get3A_19 = arith.constant 0 : index
    %get3A_20 = arith.constant 0 : index
    %get3A_21 = vector.load %arg3[%get3A_18, %get3A_19, %get3A_20] : memref<2x1024x16xf32, #tpu.memory_space<vmem>>, vector<1x1024x1xf32>
    %get3A_22 = vector.shape_cast %get3A_21 : vector<1x1024x1xf32> to vector<1024x1xf32>
    %add3A_23 = arith.addf %get3A_17, %get3A_22 : vector<1024x1xf32>
    %add3A_24 = arith.constant 1.000000e+00 : f32
    %add3A_25 = vector.broadcast %add3A_24 : f32 to vector<1024x1xf32>
    %add3A_26 = arith.addf %add3A_23, %add3A_25 : vector<1024x1xf32>
    %div3A = vector.broadcast %add3A_26 : vector<1024x1xf32> to vector<1024x64xf32>
    %div3A_27 = arith.divf %add3A_12, %div3A : vector<1024x64xf32>
    %swap3A = arith.constant 0 : index
    %swap3A_28 = arith.constant 0 : index
    %swap3A_29 = vector.load %arg4[%swap3A, %swap3A_28] : memref<1024x64xf32, #tpu.memory_space<vmem>>, vector<1024x64xf32>
    tpu.vector_store %arg4[%swap3A, %swap3A_28], %div3A_27 {strides = array<i32>} : memref<1024x64xf32, #tpu.memory_space<vmem>>, vector<1024x64xf32>,
    return
  }
  func.func @transform_0(%arg0: i32) -> (i32, i32, i32) {
    %c0_i32 = arith.constant 0 : i32
    %c0_i32_0 = arith.constant 0 : i32
    %c0_i32_1 = arith.constant 0 : i32
    return %c0_i32, %arg0, %c0_i32_0 : i32, i32, i32
  }
  func.func @transform_1(%arg0: i32) -> (i32, i32) {
    %c0_i32 = arith.constant 0 : i32
    %c0_i32_0 = arith.constant 0 : i32
    return %arg0, %c0_i32 : i32, i32
  }
  func.func @transform_2(%arg0: i32) -> (i32, i32, i32) {
    %c0_i32 = arith.constant 0 : i32
    %c0_i32_0 = arith.constant 0 : i32
    %c0_i32_1 = arith.constant 0 : i32
    return %c0_i32, %arg0, %c0_i32_0 : i32, i32, i32
  }
  func.func @transform_3(%arg0: i32) -> (i32, i32) {
    %c0_i32 = arith.constant 0 : i32
    %c0_i32_0 = arith.constant 0 : i32
    return %arg0, %c0_i32 : i32, i32
  }
}

module attributes {stable_mosaic.version = 14 : i64} {
  func.func @_fin_body(%arg0: i32, %arg1: memref<2x1024x64xf32, #tpu.memory_space<vmem>>, %arg2: memref<1024x64xf32, #tpu.memory_space<vmem>>, %arg3: memref<2x1024x16xf32, #tpu.memory_space<vmem>>, %arg4: memref<1x64xf32, #tpu.memory_space<vmem>>, %arg5: memref<1024x64xf32, #tpu.memory_space<vmem>>) attributes {dimension_semantics = [#tpu.dimension_semantics<arbitrary>], iteration_bounds = array<i64: 10>, scalar_prefetch = 0 : i64, scratch_operands = 0 : i64, tpu.core_type = #tpu.core_type<tc>, window_params = [{transform_indices = @transform_0, window_bounds = array<i64: 2, 1024, 64>}, {transform_indices = @transform_1, window_bounds = array<i64: 1024, 64>}, {transform_indices = @transform_2, window_bounds = array<i64: 2, 1024, 16>}, {pipeline_mode = #tpu.pipeline_mode<synchronous>, transform_indices = @transform_3, window_bounds = array<i64: 1, 64>}, {transform_indices = @transform_4, window_bounds = array<i64: 1024, 64>}]} {
    %get3A = arith.constant 0 : index
    %get3A_0 = arith.constant 0 : index
    %get3A_1 = arith.constant 0 : index
    %get3A_2 = vector.load %arg1[%get3A, %get3A_0, %get3A_1] : memref<2x1024x64xf32, #tpu.memory_space<vmem>>, vector<1x1024x64xf32>
    %get3A_3 = vector.shape_cast %get3A_2 : vector<1x1024x64xf32> to vector<1024x64xf32>
    %get3A_4 = arith.constant 1 : index
    %get3A_5 = arith.constant 0 : index
    %get3A_6 = arith.constant 0 : index
    %get3A_7 = vector.load %arg1[%get3A_4, %get3A_5, %get3A_6] : memref<2x1024x64xf32, #tpu.memory_space<vmem>>, vector<1x1024x64xf32>
    %get3A_8 = vector.shape_cast %get3A_7 : vector<1x1024x64xf32> to vector<1024x64xf32>
    %add3A = arith.addf %get3A_3, %get3A_8 : vector<1024x64xf32>
    %get3A_9 = arith.constant 0 : index
    %get3A_10 = arith.constant 0 : index
    %get3A_11 = vector.load %arg2[%get3A_9, %get3A_10] : memref<1024x64xf32, #tpu.memory_space<vmem>>, vector<1024x64xf32>
    %add3A_12 = arith.addf %add3A, %get3A_11 : vector<1024x64xf32>
    %get3A_13 = arith.constant 0 : index
    %get3A_14 = arith.constant 0 : index
    %get3A_15 = arith.constant 0 : index
    %get3A_16 = vector.load %arg3[%get3A_13, %get3A_14, %get3A_15] : memref<2x1024x16xf32, #tpu.memory_space<vmem>>, vector<1x1024x1xf32>
    %get3A_17 = vector.shape_cast %get3A_16 : vector<1x1024x1xf32> to vector<1024x1xf32>
    %get3A_18 = arith.constant 1 : index
    %get3A_19 = arith.constant 0 : index
    %get3A_20 = arith.constant 0 : index
    %get3A_21 = vector.load %arg3[%get3A_18, %get3A_19, %get3A_20] : memref<2x1024x16xf32, #tpu.memory_space<vmem>>, vector<1x1024x1xf32>
    %get3A_22 = vector.shape_cast %get3A_21 : vector<1x1024x1xf32> to vector<1024x1xf32>
    %add3A_23 = arith.addf %get3A_17, %get3A_22 : vector<1024x1xf32>
    %add3A_24 = arith.constant 1.000000e+00 : f32
    %add3A_25 = vector.broadcast %add3A_24 : f32 to vector<1024x1xf32>
    %add3A_26 = arith.addf %add3A_23, %add3A_25 : vector<1024x1xf32>
    %rsqrt3A = math.rsqrt %add3A_26 : vector<1024x1xf32>
    %mul3A = vector.broadcast %rsqrt3A : vector<1024x1xf32> to vector<1024x64xf32>
    %mul3A_27 = arith.mulf %add3A_12, %mul3A : vector<1024x64xf32>
    %get3A_28 = arith.constant 0 : index
    %get3A_29 = arith.constant 0 : index
    %get3A_30 = vector.load %arg4[%get3A_28, %get3A_29] : memref<1x64xf32, #tpu.memory_space<vmem>>, vector<1x64xf32>
    %add3A_31 = vector.broadcast %get3A_30 : vector<1x64xf32> to vector<1024x64xf32>
    %add3A_32 = arith.addf %mul3A_27, %add3A_31 : vector<1024x64xf32>
    %swap3A = arith.constant 0 : index
    %swap3A_33 = arith.constant 0 : index
    %swap3A_34 = vector.load %arg5[%swap3A, %swap3A_33] : memref<1024x64xf32, #tpu.memory_space<vmem>>, vector<1024x64xf32>
    tpu.vector_store %arg5[%swap3A, %swap3A_33], %add3A_32 {strides = array<i32>} : memref<1024x64xf32, #tpu.memory_space<vmem>>, vector<1024x64xf32>,
    return
  }
  func.func @transform_0(%arg0: i32) -> (i32, i32, i32) {
    %c0_i32 = arith.constant 0 : i32
    %c0_i32_0 = arith.constant 0 : i32
    %c0_i32_1 = arith.constant 0 : i32
    return %c0_i32, %arg0, %c0_i32_0 : i32, i32, i32
  }
  func.func @transform_1(%arg0: i32) -> (i32, i32) {
    %c0_i32 = arith.constant 0 : i32
    %c0_i32_0 = arith.constant 0 : i32
    return %arg0, %c0_i32 : i32, i32
  }
  func.func @transform_2(%arg0: i32) -> (i32, i32, i32) {
    %c0_i32 = arith.constant 0 : i32
    %c0_i32_0 = arith.constant 0 : i32
    %c0_i32_1 = arith.constant 0 : i32
    return %c0_i32, %arg0, %c0_i32_0 : i32, i32, i32
  }
  func.func @transform_3(%arg0: i32) -> (i32, i32) {
    %c0_i32 = arith.constant 0 : i32
    %c0_i32_0 = arith.constant 0 : i32
    %c0_i32_1 = arith.constant 0 : i32
    return %c0_i32, %c0_i32_0 : i32, i32
  }
  func.func @transform_4(%arg0: i32) -> (i32, i32) {
    %c0_i32 = arith.constant 0 : i32
    %c0_i32_0 = arith.constant 0 : i32
    return %arg0, %c0_i32 : i32, i32
  }
}

</mosaic_0001>

<sc_bundles>
// kernel: kernel.12.cloned.1.call-start
scs
__scs_entry_jumppad:
0x0: {  	(pc) =	sbr.rel $0x88, $3  }
0x1: {  	(tag) =	ssettag $0x0;
	lr =	simm.s32 $0x1  }
0x2: {  	[smem:$0x3F9D] =	sst lr;
	_ =	strace $0xD0000000  }
0x3: {  	_ = 	snop  }
0x4: {  	_ = 	snop  }
0x5: {  	_ = 	snop  }
0x6: {  	_ = 	snop  }
0x7: {  	_ = 	snop  }
__scs_overlays_trampoline_lowered:
0x8: {  	[smem:$0x3FAC] =	sst s0  }
0x9: {  	[smem:$0x3FAD] =	sst s1  }
0xa: {  	[smem:$0x3FAE] =	sst s2  }
0xb: {  	[smem:$0x3FAF] =	sst s3  }
0xc: {  	[smem:$0x3FB0] =	sst s4  }
0xd: {  	[smem:$0x3FB1] =	sst s5  }
0xe: {  	[smem:$0x3FB2] =	sst s6  }
0xf: {  	[smem:$0x3FB3] =	sst s7  }
0x10: {  	[smem:$0x3FB4] =	sst s8  }
0x11: {  	[smem:$0x3FB5] =	sst s9;
	s0 =	simm.s32 @!p0 $0x0  }
0x12: {  	s1 =	sld [smem:$0x3F9B];
	s0 =	simm.s32 @p0 $0x1  }
0x13: {  	[smem:$0x3FB6] =	sst s0;
	s0 =	simm.s32 @!p1 $0x0  }
0x14: {  	s2 =	sld [smem:$0x3F9A];
	s0 =	simm.s32 @p1 $0x1  }
0x15: {  	[smem:$0x3FB7] =	sst s0;
	s0 =	simm.s32 @!p2 $0x0  }
0x16: {  	s3 =	sld [smem:$0x3FDB];
	s0 =	simm.s32 @p2 $0x1  }
0x17: {  	s4 =	simm.s32 $0x1BF5;
	[smem:$0x3FB9] =	sst s0  }
0x18: {  	s0 =	sld [smem:$0x3F9C];
	_ =	swait.ge [sflag:s4], $0x0  }
0x19: {  	s7 =	sld [smem:$0x3F9D]  }
0x1a: {  	s8 =	sadd.s32 $0xFFFFE003, lr  }
0x1b: {  	s9 =	sadd.s32 $0xFFFFFEF7, lr;
	s5 =	simm.s32 $0xFFFFFFFF;
	p2 =	slt.u32 s8, $0xFFFFF086  }
0x1c: {  	p1 =	slt.u32 s9, $0xF7A;
	s5 =	simm.s32 @!p2 $0x0  }
0x1d: {  	s5 =	simm.s32 @p1 $0x1;
	p0 =	seq.s32 s7, s2  }
0x1e: {  	s7 =	smul.u32 @!p0 $0xF7A, s2;
	p2 =	seq.s32 @!p0 s5, $0x0  }
0x1f: {  	s9 =	smul.u32 $0xF7A, s1;
	s8 =	simm.s32 @!p0 $0x1BF5;
	p2 =	por !p2, p0  }
0x20: {  	[sflag:s8] =	ssyncset.s32 @!p0 $0xFFFFF086;
	s6 =	sadd.s32 @!p0 s3, s7;
	s7 =	simm.s32 @!p0 $0x108  }
0x21: {  	s3 =	sadd.s32 s3, s9;
	s6 =	sadd.s32 @!p0 $0x88, s6;
	s7 =	simm.s32 @p2 $0x1082  }
0x22: {  	[simem:s7], [sflag:s8] =	dma.local @!p0 [hbm:s6], $0xF7A  }
0x23: {  	s9 =	sor.u32 $0xD0000000, s2;
	s6 =	simm.s32 $0x108;
	_ =	swait.ge @!p0 [sflag:s8], $0x0  }
0x24: {  	s3 =	sadd.s32 $0x88, s3;
	s6 =	simm.s32 @!p1 $0x1082;
	[sflag:s4] =	ssyncset.s32 $0xFFFFF086  }
0x25: {  	[simem:s6], [sflag:s4] =	dma.local [hbm:s3], $0xF7A  }
0x26: {  	[smem:$0x3F9D] =	sst s1;
	(tag) =	ssettag s2;
	_ =	strace s9  }
0x27: {  	s1 =	sld [smem:$0x3FAD]  }
0x28: {  	s2 =	sld [smem:$0x3FAE]  }
0x29: {  	s4 =	sld [smem:$0x3FB0]  }
0x2a: {  	p0 =	seq.s32 s5, $0x0;
	s5 =	sld [smem:$0x3FB1]  }
0x2b: {  	s6 =	sld [smem:$0x3FB2]  }
0x2c: {  	s7 =	sld [smem:$0x3FB3]  }
0x2d: {  	s3 =	simm.s32 $0x108;
	s8 =	sld [smem:$0x3FB4]  }
0x2e: {  	s3 =	simm.s32 @!p0 $0x1082;
	s9 =	sld [smem:$0x3FB5]  }
0x2f: {  	lr =	sadd.s32 s0, s3;
	s0 =	sld [smem:$0x3FAC]  }
0x30: {  	s3 =	sld [smem:$0x3FAF]  }
0x31: {  	[smem:$0x3FB8] =	sst s10  }
0x32: {  	s10 =	sld [smem:$0x3FB6];
	_ =	sdelay $0x3  }
0x33: {  	p0 =	seq.s32 s10, $0x1;
	s10 =	sld [smem:$0x3FB8];
	_ =	sdelay $0x3  }
0x34: {  	[smem:$0x3FB8] =	sst s10  }
0x35: {  	s10 =	sld [smem:$0x3FB7];
	_ =	sdelay $0x3  }
0x36: {  	p1 =	seq.s32 s10, $0x1;
	s10 =	sld [smem:$0x3FB8];
	_ =	sdelay $0x3  }
0x37: {  	[smem:$0x3FB8] =	sst s10  }
0x38: {  	s10 =	sld [smem:$0x3FB9]  }
0x39: {  	_ = 	snop;
	(pc) =	sbr.ind lr, $3  }
0x3a: {  	_ = 	snop  }
0x3b: {  	_ = 	snop  }
0x3c: {  	p2 =	seq.s32 s10, $0x1;
	s10 =	sld [smem:$0x3FB8]  }
0x3d: {  	_ =	shalt  }
0x3e: {  	_ =	shalt  }
0x3f: {  	_ =	shalt  }
0x40: {  	_ =	shalt  }
0x41: {  	_ =	shalt  }
0x42: {  	_ =	shalt  }
0x43: {  	_ =	shalt  }
0x44: {  	_ =	shalt  }
0x45: {  	_ =	shalt  }
0x46: {  	_ =	shalt  }
0x47: {  	_ =	shalt  }
0x48: {  	_ =	shalt  }
0x49: {  	_ =	shalt  }
0x4a: {  	_ =	shalt  }
0x4b: {  	_ =	shalt  }
0x4c: {  	_ =	shalt  }
0x4d: {  	_ =	shalt  }
0x4e: {  	_ =	shalt  }
0x4f: {  	_ =	shalt  }
0x50: {  	_ =	shalt  }
0x51: {  	_ =	shalt  }
0x52: {  	_ =	shalt  }
0x53: {  	_ =	shalt  }
0x54: {  	_ =	shalt  }
0x55: {  	_ =	shalt  }
0x56: {  	_ =	shalt  }
0x57: {  	_ =	shalt  }
0x58: {  	_ =	shalt  }
0x59: {  	_ =	shalt  }
0x5a: {  	_ =	shalt  }
0x5b: {  	_ =	shalt  }
0x5c: {  	_ =	shalt  }
0x5d: {  	_ =	shalt  }
0x5e: {  	_ =	shalt  }
0x5f: {  	_ =	shalt  }
0x60: {  	_ =	shalt  }
0x61: {  	_ =	shalt  }
0x62: {  	_ =	shalt  }
0x63: {  	_ =	shalt  }
0x64: {  	_ =	shalt  }
0x65: {  	_ =	shalt  }
0x66: {  	_ =	shalt  }
0x67: {  	_ =	shalt  }
0x68: {  	_ =	shalt  }
0x69: {  	_ =	shalt  }
0x6a: {  	_ =	shalt  }
0x6b: {  	_ =	shalt  }
0x6c: {  	_ =	shalt  }
0x6d: {  	_ =	shalt  }
0x6e: {  	_ =	shalt  }
0x6f: {  	_ =	shalt  }
0x70: {  	_ =	shalt  }
0x71: {  	_ =	shalt  }
0x72: {  	_ =	shalt  }
0x73: {  	_ =	shalt  }
0x74: {  	_ =	shalt  }
0x75: {  	_ =	shalt  }
0x76: {  	_ =	shalt  }
0x77: {  	_ =	shalt  }
0x78: {  	_ =	shalt  }
0x79: {  	_ =	shalt  }
0x7a: {  	_ =	shalt  }
0x7b: {  	_ =	shalt  }
0x7c: {  	_ =	shalt  }
0x7d: {  	_ =	shalt  }
0x7e: {  	_ =	shalt  }
0x7f: {  	_ =	shalt  }
0x80: {  	_ =	shalt  }
0x81: {  	_ =	shalt  }
0x82: {  	_ =	shalt  }
0x83: {  	_ =	shalt  }
0x84: {  	_ =	shalt  }
0x85: {  	_ =	shalt  }
0x86: {  	_ =	shalt  }
0x87: {  	_ =	shalt  }
.Lfunc_end0:
.L_simem_size_0:
called_computation.1_lowered:
.L_overlay_start_0:
0x88: {  	s2 =	sld [smem:$0x3FD9]  }
0x89: {  	s3 =	sld [smem:$0x3FFE];
	_ =	sdelay $0x1  }
0x8a: {  	s1 =	srdreg.scid  }
0x8b: {  	s0 =	sand.u32 $0x1, s1  }
0x8c: {  	s17 =	sshll.u32 s0, $0xA;
	s2 =	sadd.s32 s3, s2  }
0x8d: {  	s2 =	sadd.s32 s2, s17  }
0x8e: {  	[smem:$0x3FC4] =	sst s2  }
0x8f: {  	_ = 	snop  }
0x90: {  	s2 =	sld [smem:$0x3FD0];
	(tm) =	ssettm $0x1  }
0x91: {  	s18 =	sld [smem:$0x3FFB];
	_ =	sdelay $0x3  }
0x92: {  	_ =	strace s18  }
0x93: {  	s3 =	sld [smem:$0x3FFC];
	_ =	sdelay $0x3  }
0x94: {  	_ =	strace s3  }
0x95: {  	s3 =	sld [smem:$0x3FFD];
	_ =	sdelay $0x3  }
0x96: {  	_ =	strace s3  }
0x97: {  	_ =	strace $0x8FFFFFFF  }
0x98: {  	s19 =	sld [smem:$0x3FDB];
	_ =	sdelay $0x1  }
0x99: {  	s4 =	simm.s32 $_scs_section_size  }
0x9a: {  	s5 =	simm.s32 $_size__tile_overlayer_lowered;
	s6 =	simm.s32 $_tile_overlayer_lowered  }
0x9b: {  	s22 =	simm.s32 $0x1BFF;
	s21 =	sshll.u32 s6, $0x1;
	s3 =	sadd.s32 s4, s19  }
0x9c: {  	s7 =	simm.s32 $0x0;
	s20 =	sshll.u32 s5, $0x1;
	s5 =	sadd.s32 s21, s3  }
0x9d: {  	[timem:s7], [sflag:s22] =	dma.local [hbm:s5], s20  }
0x9e: {  	_ =	swait.ge [sflag:s22], s20  }
0x9f: {  	s4 =	ssub.s32 $0x0, s20;
	[sflag:s22] =	ssyncset.done $0x0  }
0xa0: {  	[sflag:s22] =	ssyncadd.s32 s4;
	_ =	sdelay $0x1  }
0xa1: {  	s23 =	simm.s32 $0x1B8B  }
0xa2: {  	_ =	swait.ge [sflag:s23], $0x1  }
0xa3: {  	[sflag:s23] =	ssyncset.done $0x0  }
0xa4: {  	s25 =	simm.s32 $0x1B8E;
	s24 =	sld [smem:$0x3FFE];
	[sflag:s23] =	ssyncadd.s32 $0xFFFFFFFF  }
0xa5: {  	s26 =	simm.s32 $execute0_lowered;
	[smem:$0x3FD2] =	sst s25  }
0xa6: {  	s5 =	sshll.u32 s26, $0x1;
	_ =	strace $0x80000049;
	[dreg:$0x1] =	wrdreg $0xFFFFFFFF  }
0xa7: {  	s28 =	simm.s32 $_size_execute0_lowered;
	s3 =	sadd.s32 s3, s5;
	[dreg:$0x0] =	wrdreg $0x0  }
0xa8: {  	s5 =	sshll.u32 s28, $0x1;
	[dreg:$0x2] =	wrdreg s3  }
0xa9: {  	[dreg:$0x3] =	wrdreg s5  }
0xaa: {  	[dreg:$0x4] =	wrdreg $0xC0  }
0xab: {  	_ =	task [dreg:s7], $0x5FFFF  }
0xac: {  	[dreg:$0x1] =	wrdreg $0xFFFFFFFF  }
0xad: {  	[dreg:$0x0] =	wrdreg $0x60  }
0xae: {  	[dreg:$0x2] =	wrdreg s24  }
0xaf: {  	[dreg:$0x3] =	wrdreg s2  }
0xb0: {  	[dreg:$0x4] =	wrdreg $0x70000  }
0xb1: {  	[dreg:$0x5] =	wrdreg $0x110000  }
0xb2: {  	[dreg:$0x6] =	wrdreg $0x9  }
0xb3: {  	_ =	task.clear_ibuf [dreg:s7], $0x7FFFF;
	_ =	strace $0x90000049  }
0xb4: {  	s29 =	simm.s32 $0x9;
	_ =	strace $0x8000004B  }
0xb5: {  	_ =	swait.ge [sflag:s29], $0x1  }
0xb6: {  	[sflag:s29] =	ssyncadd.s32 $0xFFFFFFFF  }
0xb7: {  	_ =	strace $0x9000004B  }
0xb8: {  	_ =	sfence  }
0xb9: {  	s30 =	sld [smem:$0x0];
	_ =	sdelay $0x2  }
0xba: {  	s31 =	sshll.u32 s1, $0xD;
	s1 =	sshrl.u32 s1, $0x2  }
0xbb: {  	s3 =	sand.u32 $0x4000, s31;
	s1 =	sadd.s32 s1, s30  }
0xbc: {  	s0 =	sor.u32 s3, s0;
	s1 =	sshll.u32 s1, $0x11  }
0xbd: {  	s0 =	sor.u32 s1, s0  }
0xbe: {  	s0 =	sadd.s32 $0x8F2B, s0  }
0xbf: {  	[sflag:s0] =	ssyncadd.remote.s32 $0x1  }
0xc0: {  	_ =	sfence.sel $0xFFFF  }
0xc1: {  	[dreg:$0x0] =	wrdreg $0xFFFFFFFF;
	(pc) =	sbr.abs _section_cstart, $3  }
0xc2: {  	[dreg:$0x1] =	wrdreg $0xFFFFFFFF  }
0xc3: {  	_ =	task.clear_ibuf [dreg:s7], $0x2FFFF;
	_ =	strace $0x9FFFFFFF  }
0xc4: {  	(tm) =	ssettm $0x7FFFFFFF  }
0xc5: {  	_ =	shalt  }
tec
execute0_lowered:
.L_overlay_start_1:
0x0: {  	(tag) =	ssettag $0x1  }
0x1: {  	s5 =	rddreg [dreg:$0x0]  }
0x2: {  	s8 =	rddreg [dreg:$0x1]  }
0x3: {  	s1 =	srdreg.scid;
	s2 =	rddreg [dreg:$0x2]  }
0x4: {  	s0 =	stileid.u32;
	s3 =	rddreg [dreg:$0x3]  }
0x5: {  	s4 =	simm.s32 $0x0;
	s16 =	simm.s32 $0x80;
	s17 =	simm.s32 $0x5000  }
0x6: {  	s18 =	simm.s32 $0x0;
	s6 =	sand.u32 $0x1, s1;
	s29 =	sshll.u32 s0, $0x1  }
0x7: {  	s7 =	smul.u32 $0xA000, s0;
	[smem:$0x7FF] =	sst s4;
	s31 =	sshll.u32 s0, $0x6  }
0x8: {  	s1 =	sor.u32 s6, s29;
	s10 =	smul.u32 $0xA0000, s6;
	s6 =	ssub.s32 $0x2, s6  }
0x9: {  	s9 =	smul.u32 $0x500, s1;
	s1 =	rddreg [dreg:$0x4];
	_ =	strace $0x8000004A  }
0xa: {  	s12 =	sshrl.u32 s7, $0x3;
	s30 =	sshrl.u32 s6, $0x1;
	s14 =	sadd.s32 s7, s2  }
0xb: {  	s15 =	sadd.s32 s7, s3;
	s10 =	sadd.s32 s7, s10;
	s12 =	sadd.s32 s12, s5  }
0xc: {  	s13 =	ssub.s32 s6, s30;
	s6 =	sor.u32 $0x1C01, s31;
	s11 =	sadd.s32 s9, s5  }
0xd: {  	s10 =	sshrl.u32 s10, $0x3;
	s7 =	sadd.s32 $0x97E00, s12;
	s8 =	sadd.s32 s8, s9  }
0xe: {  	s10 =	sadd.s32 s10, s5;
	s5 =	sadd.s32 $0x83E00, s12;
	s9 =	sadd.s32 $0x1E00, s11  }
0xf: {  	s11 =	smax.u32 s13, $0x1;
	s12 =	sshrl.u32 s14, $0x3;
	s13 =	simm.s32 $0x1  }
0x10: {  	s14 =	sshrl.u32 s15, $0x3;
	s15 =	simm.s32 $0x2800;
	s10 =	sadd.s32 $0xABE00, s10  }
.LBB2_1:
0x11: {  	[spmem:s12], [sflag:s6] =	dma.local [hbm:s5], $0x1400  }
0x12: {  	_ =	swait.ge [sflag:s13], $0x1400  }
0x13: {  	[sflag:s13] =	ssyncset.done $0x0  }
0x14: {  	[sflag:s13] =	ssyncadd.s32 $0xFFFFEC00  }
0x15: {  	[spmem:s14], [sflag:s6] =	dma.local [hbm:s7], $0x1400  }
0x16: {  	_ =	swait.ge [sflag:s13], $0x1400  }
0x17: {  	[sflag:s13] =	ssyncset.done $0x0  }
0x18: {  	[sflag:s13] =	ssyncadd.s32 $0xFFFFEC00  }
0x19: {  	[tilespmem:s4], [sflag:$0x1] =	stream.linear.gather [hbm4b:s8+s4], $0x2800, $0x38;
	[tilespmem:$0x1B000] =	vst v63  }
0x1a: {  	_ =	swait.ge [sflag:s13], $0x2800  }
0x1b: {  	[sflag:s13] =	ssyncset.done $0x0  }
0x1c: {  	[sflag:s13] =	ssyncadd.s32 $0xFFFFD800  }
0x1d: {  	[tilespmem:s15], [sflag:$0x1] =	stream.linear.gather [hbm4b:s9+s4], $0x2800, $0x38;
	[tilespmem:$0x1B000] =	vst v63  }
0x1e: {  	_ =	swait.ge [sflag:s13], $0x2800  }
0x1f: {  	[sflag:s13] =	ssyncset.done $0x0  }
0x20: {  	[sflag:s13] =	ssyncadd.s32 $0xFFFFD800  }
0x21: {  	s19 =	simm.s32 $0x0;
	[bflag:$0x0] =	sbarrier.arrive $0xFFFF  }
0x22: {  	[tilespmem:s17], [sflag:$0x1] =	stream.indirect.gather [spmem:s2], $0x40, s19, s16, $0xb8;
	[tilespmem:$0x1B000] =	vst v63  }
0x23: {  	_ =	swait.ge [sflag:s13], $0x2000  }
0x24: {  	[sflag:s13] =	ssyncset.done $0x0  }
0x25: {  	s31 =	simm.s32 $0x2800;
	[sflag:s13] =	ssyncadd.s32 $0xFFFFE000  }
0x26: {  	[spmem:s3] =	stream.indirect.scatter.add.f32 [tilespmem:s17], [sflag:$0x1], $0x40, s31, s16, $0xb8;
	[tilespmem:$0x1B000] =	vst v63  }
0x27: {  	_ =	swait.ge [sflag:s13], $0x2000  }
0x28: {  	s20 =	simm.s32 $0x400;
	s19 =	simm.s32 $0x200;
	[sflag:s13] =	ssyncset.done $0x0  }
.LBB2_2:
0x29: {  	s21 =	sshra.s32 s19, $0x2  }
0x2a: {  	[sflag:s13] =	ssyncadd.s32 $0xFFFFE000;
	s19 =	smov.u32 s20;
	s22 =	sadd.s32 $0x200, s20  }
0x2b: {  	[tilespmem:s17], [sflag:$0x1] =	stream.indirect.gather [spmem:s2], $0x40, s21, s16, $0xb8;
	[tilespmem:$0x1B000] =	vst v63  }
0x2c: {  	p0 =	sne.s32 s20, $0x9E00;
	_ =	swait.ge [sflag:s13], $0x2000  }
.Ltmp0:
0x2d: {  	[sflag:s13] =	ssyncset.done $0x0;
	(pc) =	sbr.rel @p0 .LBB2_2-.Ltmp0, $4  }
0x2e: {  	s20 =	sadd.s32 $0x2800, s21;
	[sflag:s13] =	ssyncadd.s32 $0xFFFFE000  }
0x2f: {  	[spmem:s3] =	stream.indirect.scatter.add.f32 [tilespmem:s17], [sflag:$0x1], $0x40, s20, s16, $0xb8;
	[tilespmem:$0x1B000] =	vst v63  }
0x30: {  	_ =	swait.ge [sflag:s13], $0x2000  }
0x31: {  	s20 =	smov.u32 s22;
	[sflag:s13] =	ssyncset.done $0x0  }
0x32: {  	s19 =	sshra.s32 s19, $0x2;
	[sflag:s13] =	ssyncadd.s32 $0xFFFFE000  }
0x33: {  	[tilespmem:s17], [sflag:$0x1] =	stream.indirect.gather [spmem:s2], $0x40, s19, s16, $0xb8;
	[tilespmem:$0x1B000] =	vst v63  }
0x34: {  	_ =	swait.ge [sflag:s13], $0x2000  }
0x35: {  	[sflag:s13] =	ssyncset.done $0x0  }
0x36: {  	s19 =	sadd.s32 $0x2800, s19;
	[sflag:s13] =	ssyncadd.s32 $0xFFFFE000  }
0x37: {  	[spmem:s3] =	stream.indirect.scatter.add.f32 [tilespmem:s17], [sflag:$0x1], $0x40, s19, s16, $0xb8;
	[tilespmem:$0x1B000] =	vst v63  }
0x38: {  	_ =	swait.ge [sflag:s13], $0x2000  }
0x39: {  	s18 =	sadd.s32 $0x1, s18;
	[sflag:s13] =	ssyncset.done $0x0  }
0x3a: {  	p0 =	sne.s32 s18, s11;
	[sflag:s13] =	ssyncadd.s32 $0xFFFFE000  }
.Ltmp1:
0x3b: {  	[bflag:$0x0] =	sbarrier.arrive $0xFFFF;
	(pc) =	sbr.rel @p0 .LBB2_1-.Ltmp1, $4  }
0x3c: {  	[hbm:s10], [sflag:s6] =	dma.local [spmem:s14], $0x1400  }
0x3d: {  	_ =	swait.ge [sflag:s13], $0x1400  }
0x3e: {  	[sflag:s13] =	ssyncset.done $0x0  }
0x3f: {  	[sflag:s13] =	ssyncadd.s32 $0xFFFFEC00  }
0x40: {  	_ =	sfence.sel $0x180000  }
0x41: {  	[bflag:$0x0] =	sbarrier.arrive $0xFFFF  }
0x42: {  	p0 =	sne.s32 s0, $0x0;
	_ =	strace $0x9000004A  }
0x43: {  	s0 =	sadd.s32 @!p0 $0x100000, s1;
	[bflag:$0x2] =	sbarrier.arrive $0xFFFF  }
0x44: {  	[sflag:s0] =	ssyncadd.tile.s32 @!p0 $0x1;
	_ =	shalt  }
.Lfunc_end2:
_tile_overlayer_lowered:
.L_overlay_start_2:
0x45: {  	(tag) =	ssettag $0x2  }
0x46: {  	s0 =	rddreg [dreg:$0x0];
	s2 =	stileid.u32  }
0x47: {  	s1 =	rddreg [dreg:$0x1];
	p0 =	sne.s32 s2, $0x0  }
0x48: {  	s3 =	rddreg [dreg:$0x2];
	[bflag:$0x3] =	sbarrier.arrive $0xFFFF;
	s2 =	simm.s32 @!p0 $0x1C01  }
0x49: {  	[timem:s3], [sflag:s2] =	dma.local @!p0 [hbm:s0], s1  }
0x4a: {  	s0 =	simm.s32 @!p0 $0x1  }
0x4b: {  	_ =	swait.ge @!p0 [sflag:s0], s1  }
0x4c: {  	s1 =	ssub.s32 @!p0 $0x0, s1;
	[sflag:s0] =	ssyncset.done @!p0 $0x0  }
0x4d: {  	[sflag:s0] =	ssyncadd.s32 @!p0 s1  }
0x4e: {  	[bflag:$0x3] =	sbarrier.arrive $0xFFFF  }
0x4f: {  	_ =	shalt  }

// kernel: kernel.15.cloned.1.call-start
scs
__scs_entry_jumppad:
0x0: {  	(pc) =	sbr.rel $0x88, $3  }
0x1: {  	(tag) =	ssettag $0x0;
	lr =	simm.s32 $0x1  }
0x2: {  	[smem:$0x3F9D] =	sst lr;
	_ =	strace $0xD0000000  }
0x3: {  	_ = 	snop  }
0x4: {  	_ = 	snop  }
0x5: {  	_ = 	snop  }
0x6: {  	_ = 	snop  }
0x7: {  	_ = 	snop  }
__scs_overlays_trampoline_lowered:
0x8: {  	[smem:$0x3FAC] =	sst s0  }
0x9: {  	[smem:$0x3FAD] =	sst s1  }
0xa: {  	[smem:$0x3FAE] =	sst s2  }
0xb: {  	[smem:$0x3FAF] =	sst s3  }
0xc: {  	[smem:$0x3FB0] =	sst s4  }
0xd: {  	[smem:$0x3FB1] =	sst s5  }
0xe: {  	[smem:$0x3FB2] =	sst s6  }
0xf: {  	[smem:$0x3FB3] =	sst s7  }
0x10: {  	[smem:$0x3FB4] =	sst s8  }
0x11: {  	[smem:$0x3FB5] =	sst s9;
	s0 =	simm.s32 @!p0 $0x0  }
0x12: {  	s1 =	sld [smem:$0x3F9B];
	s0 =	simm.s32 @p0 $0x1  }
0x13: {  	[smem:$0x3FB6] =	sst s0;
	s0 =	simm.s32 @!p1 $0x0  }
0x14: {  	s2 =	sld [smem:$0x3F9A];
	s0 =	simm.s32 @p1 $0x1  }
0x15: {  	[smem:$0x3FB7] =	sst s0;
	s0 =	simm.s32 @!p2 $0x0  }
0x16: {  	s3 =	sld [smem:$0x3FDB];
	s0 =	simm.s32 @p2 $0x1  }
0x17: {  	s4 =	simm.s32 $0x1BF5;
	[smem:$0x3FB9] =	sst s0  }
0x18: {  	s0 =	sld [smem:$0x3F9C];
	_ =	swait.ge [sflag:s4], $0x0  }
0x19: {  	s7 =	sld [smem:$0x3F9D]  }
0x1a: {  	s8 =	sadd.s32 $0xFFFFE003, lr  }
0x1b: {  	s9 =	sadd.s32 $0xFFFFFEF7, lr;
	s5 =	simm.s32 $0xFFFFFFFF;
	p2 =	slt.u32 s8, $0xFFFFF086  }
0x1c: {  	p1 =	slt.u32 s9, $0xF7A;
	s5 =	simm.s32 @!p2 $0x0  }
0x1d: {  	s5 =	simm.s32 @p1 $0x1;
	p0 =	seq.s32 s7, s2  }
0x1e: {  	s7 =	smul.u32 @!p0 $0xF7A, s2;
	p2 =	seq.s32 @!p0 s5, $0x0  }
0x1f: {  	s9 =	smul.u32 $0xF7A, s1;
	s8 =	simm.s32 @!p0 $0x1BF5;
	p2 =	por !p2, p0  }
0x20: {  	[sflag:s8] =	ssyncset.s32 @!p0 $0xFFFFF086;
	s6 =	sadd.s32 @!p0 s3, s7;
	s7 =	simm.s32 @!p0 $0x108  }
0x21: {  	s3 =	sadd.s32 s3, s9;
	s6 =	sadd.s32 @!p0 $0x88, s6;
	s7 =	simm.s32 @p2 $0x1082  }
0x22: {  	[simem:s7], [sflag:s8] =	dma.local @!p0 [hbm:s6], $0xF7A  }
0x23: {  	s9 =	sor.u32 $0xD0000000, s2;
	s6 =	simm.s32 $0x108;
	_ =	swait.ge @!p0 [sflag:s8], $0x0  }
0x24: {  	s3 =	sadd.s32 $0x88, s3;
	s6 =	simm.s32 @!p1 $0x1082;
	[sflag:s4] =	ssyncset.s32 $0xFFFFF086  }
0x25: {  	[simem:s6], [sflag:s4] =	dma.local [hbm:s3], $0xF7A  }
0x26: {  	[smem:$0x3F9D] =	sst s1;
	(tag) =	ssettag s2;
	_ =	strace s9  }
0x27: {  	s1 =	sld [smem:$0x3FAD]  }
0x28: {  	s2 =	sld [smem:$0x3FAE]  }
0x29: {  	s4 =	sld [smem:$0x3FB0]  }
0x2a: {  	p0 =	seq.s32 s5, $0x0;
	s5 =	sld [smem:$0x3FB1]  }
0x2b: {  	s6 =	sld [smem:$0x3FB2]  }
0x2c: {  	s7 =	sld [smem:$0x3FB3]  }
0x2d: {  	s3 =	simm.s32 $0x108;
	s8 =	sld [smem:$0x3FB4]  }
0x2e: {  	s3 =	simm.s32 @!p0 $0x1082;
	s9 =	sld [smem:$0x3FB5]  }
0x2f: {  	lr =	sadd.s32 s0, s3;
	s0 =	sld [smem:$0x3FAC]  }
0x30: {  	s3 =	sld [smem:$0x3FAF]  }
0x31: {  	[smem:$0x3FB8] =	sst s10  }
0x32: {  	s10 =	sld [smem:$0x3FB6];
	_ =	sdelay $0x3  }
0x33: {  	p0 =	seq.s32 s10, $0x1;
	s10 =	sld [smem:$0x3FB8];
	_ =	sdelay $0x3  }
0x34: {  	[smem:$0x3FB8] =	sst s10  }
0x35: {  	s10 =	sld [smem:$0x3FB7];
	_ =	sdelay $0x3  }
0x36: {  	p1 =	seq.s32 s10, $0x1;
	s10 =	sld [smem:$0x3FB8];
	_ =	sdelay $0x3  }
0x37: {  	[smem:$0x3FB8] =	sst s10  }
0x38: {  	s10 =	sld [smem:$0x3FB9]  }
0x39: {  	_ = 	snop;
	(pc) =	sbr.ind lr, $3  }
0x3a: {  	_ = 	snop  }
0x3b: {  	_ = 	snop  }
0x3c: {  	p2 =	seq.s32 s10, $0x1;
	s10 =	sld [smem:$0x3FB8]  }
0x3d: {  	_ =	shalt  }
0x3e: {  	_ =	shalt  }
0x3f: {  	_ =	shalt  }
0x40: {  	_ =	shalt  }
0x41: {  	_ =	shalt  }
0x42: {  	_ =	shalt  }
0x43: {  	_ =	shalt  }
0x44: {  	_ =	shalt  }
0x45: {  	_ =	shalt  }
0x46: {  	_ =	shalt  }
0x47: {  	_ =	shalt  }
0x48: {  	_ =	shalt  }
0x49: {  	_ =	shalt  }
0x4a: {  	_ =	shalt  }
0x4b: {  	_ =	shalt  }
0x4c: {  	_ =	shalt  }
0x4d: {  	_ =	shalt  }
0x4e: {  	_ =	shalt  }
0x4f: {  	_ =	shalt  }
0x50: {  	_ =	shalt  }
0x51: {  	_ =	shalt  }
0x52: {  	_ =	shalt  }
0x53: {  	_ =	shalt  }
0x54: {  	_ =	shalt  }
0x55: {  	_ =	shalt  }
0x56: {  	_ =	shalt  }
0x57: {  	_ =	shalt  }
0x58: {  	_ =	shalt  }
0x59: {  	_ =	shalt  }
0x5a: {  	_ =	shalt  }
0x5b: {  	_ =	shalt  }
0x5c: {  	_ =	shalt  }
0x5d: {  	_ =	shalt  }
0x5e: {  	_ =	shalt  }
0x5f: {  	_ =	shalt  }
0x60: {  	_ =	shalt  }
0x61: {  	_ =	shalt  }
0x62: {  	_ =	shalt  }
0x63: {  	_ =	shalt  }
0x64: {  	_ =	shalt  }
0x65: {  	_ =	shalt  }
0x66: {  	_ =	shalt  }
0x67: {  	_ =	shalt  }
0x68: {  	_ =	shalt  }
0x69: {  	_ =	shalt  }
0x6a: {  	_ =	shalt  }
0x6b: {  	_ =	shalt  }
0x6c: {  	_ =	shalt  }
0x6d: {  	_ =	shalt  }
0x6e: {  	_ =	shalt  }
0x6f: {  	_ =	shalt  }
0x70: {  	_ =	shalt  }
0x71: {  	_ =	shalt  }
0x72: {  	_ =	shalt  }
0x73: {  	_ =	shalt  }
0x74: {  	_ =	shalt  }
0x75: {  	_ =	shalt  }
0x76: {  	_ =	shalt  }
0x77: {  	_ =	shalt  }
0x78: {  	_ =	shalt  }
0x79: {  	_ =	shalt  }
0x7a: {  	_ =	shalt  }
0x7b: {  	_ =	shalt  }
0x7c: {  	_ =	shalt  }
0x7d: {  	_ =	shalt  }
0x7e: {  	_ =	shalt  }
0x7f: {  	_ =	shalt  }
0x80: {  	_ =	shalt  }
0x81: {  	_ =	shalt  }
0x82: {  	_ =	shalt  }
0x83: {  	_ =	shalt  }
0x84: {  	_ =	shalt  }
0x85: {  	_ =	shalt  }
0x86: {  	_ =	shalt  }
0x87: {  	_ =	shalt  }
.Lfunc_end0:
.L_simem_size_0:
called_computation.2_lowered:
.L_overlay_start_0:
0x88: {  	s2 =	sld [smem:$0x3FD9]  }
0x89: {  	s3 =	sld [smem:$0x3FFE];
	_ =	sdelay $0x1  }
0x8a: {  	s1 =	srdreg.scid  }
0x8b: {  	s0 =	sand.u32 $0x1, s1  }
0x8c: {  	s17 =	sshll.u32 s0, $0xA;
	s2 =	sadd.s32 s3, s2  }
0x8d: {  	s2 =	sadd.s32 s2, s17  }
0x8e: {  	[smem:$0x3FC4] =	sst s2  }
0x8f: {  	_ = 	snop  }
0x90: {  	s2 =	sld [smem:$0x3FD0];
	(tm) =	ssettm $0x1  }
0x91: {  	s18 =	sld [smem:$0x3FFB];
	_ =	sdelay $0x3  }
0x92: {  	_ =	strace s18  }
0x93: {  	s3 =	sld [smem:$0x3FFC];
	_ =	sdelay $0x3  }
0x94: {  	_ =	strace s3  }
0x95: {  	s3 =	sld [smem:$0x3FFD];
	_ =	sdelay $0x3  }
0x96: {  	_ =	strace s3  }
0x97: {  	_ =	strace $0x8FFFFFFF  }
0x98: {  	s19 =	sld [smem:$0x3FDB];
	_ =	sdelay $0x1  }
0x99: {  	s4 =	simm.s32 $_scs_section_size  }
0x9a: {  	s5 =	simm.s32 $_size__tile_overlayer_lowered;
	s6 =	simm.s32 $_tile_overlayer_lowered  }
0x9b: {  	s22 =	simm.s32 $0x1BFF;
	s21 =	sshll.u32 s6, $0x1;
	s3 =	sadd.s32 s4, s19  }
0x9c: {  	s7 =	simm.s32 $0x0;
	s20 =	sshll.u32 s5, $0x1;
	s5 =	sadd.s32 s21, s3  }
0x9d: {  	[timem:s7], [sflag:s22] =	dma.local [hbm:s5], s20  }
0x9e: {  	_ =	swait.ge [sflag:s22], s20  }
0x9f: {  	s4 =	ssub.s32 $0x0, s20;
	[sflag:s22] =	ssyncset.done $0x0  }
0xa0: {  	[sflag:s22] =	ssyncadd.s32 s4;
	_ =	sdelay $0x1  }
0xa1: {  	s23 =	simm.s32 $0x1B8B  }
0xa2: {  	_ =	swait.ge [sflag:s23], $0x1  }
0xa3: {  	[sflag:s23] =	ssyncset.done $0x0  }
0xa4: {  	s25 =	simm.s32 $0x1B8E;
	s24 =	sld [smem:$0x3FFE];
	[sflag:s23] =	ssyncadd.s32 $0xFFFFFFFF  }
0xa5: {  	s26 =	simm.s32 $execute0_lowered;
	[smem:$0x3FD2] =	sst s25  }
0xa6: {  	s5 =	sshll.u32 s26, $0x1;
	_ =	strace $0x8000004C;
	[dreg:$0x1] =	wrdreg $0xFFFFFFFF  }
0xa7: {  	s28 =	simm.s32 $_size_execute0_lowered;
	s3 =	sadd.s32 s3, s5;
	[dreg:$0x0] =	wrdreg $0x0  }
0xa8: {  	s5 =	sshll.u32 s28, $0x1;
	[dreg:$0x2] =	wrdreg s3  }
0xa9: {  	[dreg:$0x3] =	wrdreg s5  }
0xaa: {  	[dreg:$0x4] =	wrdreg $0xC0  }
0xab: {  	_ =	task [dreg:s7], $0x5FFFF  }
0xac: {  	[dreg:$0x1] =	wrdreg $0xFFFFFFFF  }
0xad: {  	[dreg:$0x0] =	wrdreg $0x60  }
0xae: {  	[dreg:$0x2] =	wrdreg s24  }
0xaf: {  	[dreg:$0x3] =	wrdreg s2  }
0xb0: {  	[dreg:$0x4] =	wrdreg $0x70000  }
0xb1: {  	[dreg:$0x5] =	wrdreg $0x110000  }
0xb2: {  	[dreg:$0x6] =	wrdreg $0x9  }
0xb3: {  	_ =	task.clear_ibuf [dreg:s7], $0x7FFFF;
	_ =	strace $0x9000004C  }
0xb4: {  	s29 =	simm.s32 $0x9;
	_ =	strace $0x8000004E  }
0xb5: {  	_ =	swait.ge [sflag:s29], $0x1  }
0xb6: {  	[sflag:s29] =	ssyncadd.s32 $0xFFFFFFFF  }
0xb7: {  	_ =	strace $0x9000004E  }
0xb8: {  	_ =	sfence  }
0xb9: {  	s30 =	sld [smem:$0x0];
	_ =	sdelay $0x2  }
0xba: {  	s31 =	sshll.u32 s1, $0xD;
	s1 =	sshrl.u32 s1, $0x2  }
0xbb: {  	s3 =	sand.u32 $0x4000, s31;
	s1 =	sadd.s32 s1, s30  }
0xbc: {  	s0 =	sor.u32 s3, s0;
	s1 =	sshll.u32 s1, $0x11  }
0xbd: {  	s0 =	sor.u32 s1, s0  }
0xbe: {  	s0 =	sadd.s32 $0x8F2B, s0  }
0xbf: {  	[sflag:s0] =	ssyncadd.remote.s32 $0x1  }
0xc0: {  	_ =	sfence.sel $0xFFFF  }
0xc1: {  	[dreg:$0x0] =	wrdreg $0xFFFFFFFF;
	(pc) =	sbr.abs _section_cstart, $3  }
0xc2: {  	[dreg:$0x1] =	wrdreg $0xFFFFFFFF  }
0xc3: {  	_ =	task.clear_ibuf [dreg:s7], $0x2FFFF;
	_ =	strace $0x9FFFFFFF  }
0xc4: {  	(tm) =	ssettm $0x7FFFFFFF  }
0xc5: {  	_ =	shalt  }
tec
execute0_lowered:
.L_overlay_start_1:
0x0: {  	(tag) =	ssettag $0x1  }
0x1: {  	s5 =	rddreg [dreg:$0x0]  }
0x2: {  	s8 =	rddreg [dreg:$0x1]  }
0x3: {  	s1 =	srdreg.scid;
	s2 =	rddreg [dreg:$0x2]  }
0x4: {  	s0 =	stileid.u32;
	s3 =	rddreg [dreg:$0x3]  }
0x5: {  	s4 =	simm.s32 $0x0;
	s16 =	simm.s32 $0x80;
	s17 =	simm.s32 $0x5000  }
0x6: {  	s18 =	simm.s32 $0x0;
	s6 =	sand.u32 $0x1, s1;
	s29 =	sshll.u32 s0, $0x1  }
0x7: {  	s7 =	smul.u32 $0xA000, s0;
	[smem:$0x7FF] =	sst s4;
	s31 =	sshll.u32 s0, $0x6  }
0x8: {  	s1 =	sor.u32 s6, s29;
	s10 =	smul.u32 $0xA0000, s6;
	s6 =	ssub.s32 $0x2, s6  }
0x9: {  	s9 =	smul.u32 $0x500, s1;
	s1 =	rddreg [dreg:$0x4];
	_ =	strace $0x8000004D  }
0xa: {  	s12 =	sshrl.u32 s7, $0x3;
	s30 =	sshrl.u32 s6, $0x1;
	s14 =	sadd.s32 s7, s2  }
0xb: {  	s15 =	sadd.s32 s7, s3;
	s10 =	sadd.s32 s7, s10;
	s12 =	sadd.s32 s12, s5  }
0xc: {  	s13 =	ssub.s32 s6, s30;
	s6 =	sor.u32 $0x1C01, s31;
	s11 =	sadd.s32 s9, s5  }
0xd: {  	s10 =	sshrl.u32 s10, $0x3;
	s7 =	sadd.s32 $0x97E00, s12;
	s8 =	sadd.s32 s8, s9  }
0xe: {  	s10 =	sadd.s32 s10, s5;
	s5 =	sadd.s32 $0x5BE00, s12;
	s9 =	sadd.s32 $0x1E00, s11  }
0xf: {  	s11 =	smax.u32 s13, $0x1;
	s12 =	sshrl.u32 s14, $0x3;
	s13 =	simm.s32 $0x1  }
0x10: {  	s14 =	sshrl.u32 s15, $0x3;
	s15 =	simm.s32 $0x2800;
	s10 =	sadd.s32 $0x6FE00, s10  }
.LBB2_1:
0x11: {  	[spmem:s12], [sflag:s6] =	dma.local [hbm:s5], $0x1400  }
0x12: {  	_ =	swait.ge [sflag:s13], $0x1400  }
0x13: {  	[sflag:s13] =	ssyncset.done $0x0  }
0x14: {  	[sflag:s13] =	ssyncadd.s32 $0xFFFFEC00  }
0x15: {  	[spmem:s14], [sflag:s6] =	dma.local [hbm:s7], $0x1400  }
0x16: {  	_ =	swait.ge [sflag:s13], $0x1400  }
0x17: {  	[sflag:s13] =	ssyncset.done $0x0  }
0x18: {  	[sflag:s13] =	ssyncadd.s32 $0xFFFFEC00  }
0x19: {  	[tilespmem:s4], [sflag:$0x1] =	stream.linear.gather [hbm4b:s8+s4], $0x2800, $0x38;
	[tilespmem:$0x1B000] =	vst v63  }
0x1a: {  	_ =	swait.ge [sflag:s13], $0x2800  }
0x1b: {  	[sflag:s13] =	ssyncset.done $0x0  }
0x1c: {  	[sflag:s13] =	ssyncadd.s32 $0xFFFFD800  }
0x1d: {  	[tilespmem:s15], [sflag:$0x1] =	stream.linear.gather [hbm4b:s9+s4], $0x2800, $0x38;
	[tilespmem:$0x1B000] =	vst v63  }
0x1e: {  	_ =	swait.ge [sflag:s13], $0x2800  }
0x1f: {  	[sflag:s13] =	ssyncset.done $0x0  }
0x20: {  	[sflag:s13] =	ssyncadd.s32 $0xFFFFD800  }
0x21: {  	s19 =	simm.s32 $0x0;
	[bflag:$0x0] =	sbarrier.arrive $0xFFFF  }
0x22: {  	[tilespmem:s17], [sflag:$0x1] =	stream.indirect.gather [spmem:s2], $0x40, s19, s16, $0xb8;
	[tilespmem:$0x1B000] =	vst v63  }
0x23: {  	_ =	swait.ge [sflag:s13], $0x2000  }
0x24: {  	[sflag:s13] =	ssyncset.done $0x0  }
0x25: {  	s31 =	simm.s32 $0x2800;
	[sflag:s13] =	ssyncadd.s32 $0xFFFFE000  }
0x26: {  	[spmem:s3] =	stream.indirect.scatter.add.f32 [tilespmem:s17], [sflag:$0x1], $0x40, s31, s16, $0xb8;
	[tilespmem:$0x1B000] =	vst v63  }
0x27: {  	_ =	swait.ge [sflag:s13], $0x2000  }
0x28: {  	s20 =	simm.s32 $0x400;
	s19 =	simm.s32 $0x200;
	[sflag:s13] =	ssyncset.done $0x0  }
.LBB2_2:
0x29: {  	s21 =	sshra.s32 s19, $0x2  }
0x2a: {  	[sflag:s13] =	ssyncadd.s32 $0xFFFFE000;
	s19 =	smov.u32 s20;
	s22 =	sadd.s32 $0x200, s20  }
0x2b: {  	[tilespmem:s17], [sflag:$0x1] =	stream.indirect.gather [spmem:s2], $0x40, s21, s16, $0xb8;
	[tilespmem:$0x1B000] =	vst v63  }
0x2c: {  	p0 =	sne.s32 s20, $0x9E00;
	_ =	swait.ge [sflag:s13], $0x2000  }
.Ltmp0:
0x2d: {  	[sflag:s13] =	ssyncset.done $0x0;
	(pc) =	sbr.rel @p0 .LBB2_2-.Ltmp0, $4  }
0x2e: {  	s20 =	sadd.s32 $0x2800, s21;
	[sflag:s13] =	ssyncadd.s32 $0xFFFFE000  }
0x2f: {  	[spmem:s3] =	stream.indirect.scatter.add.f32 [tilespmem:s17], [sflag:$0x1], $0x40, s20, s16, $0xb8;
	[tilespmem:$0x1B000] =	vst v63  }
0x30: {  	_ =	swait.ge [sflag:s13], $0x2000  }
0x31: {  	s20 =	smov.u32 s22;
	[sflag:s13] =	ssyncset.done $0x0  }
0x32: {  	s19 =	sshra.s32 s19, $0x2;
	[sflag:s13] =	ssyncadd.s32 $0xFFFFE000  }
0x33: {  	[tilespmem:s17], [sflag:$0x1] =	stream.indirect.gather [spmem:s2], $0x40, s19, s16, $0xb8;
	[tilespmem:$0x1B000] =	vst v63  }
0x34: {  	_ =	swait.ge [sflag:s13], $0x2000  }
0x35: {  	[sflag:s13] =	ssyncset.done $0x0  }
0x36: {  	s19 =	sadd.s32 $0x2800, s19;
	[sflag:s13] =	ssyncadd.s32 $0xFFFFE000  }
0x37: {  	[spmem:s3] =	stream.indirect.scatter.add.f32 [tilespmem:s17], [sflag:$0x1], $0x40, s19, s16, $0xb8;
	[tilespmem:$0x1B000] =	vst v63  }
0x38: {  	_ =	swait.ge [sflag:s13], $0x2000  }
0x39: {  	s18 =	sadd.s32 $0x1, s18;
	[sflag:s13] =	ssyncset.done $0x0  }
0x3a: {  	p0 =	sne.s32 s18, s11;
	[sflag:s13] =	ssyncadd.s32 $0xFFFFE000  }
.Ltmp1:
0x3b: {  	[bflag:$0x0] =	sbarrier.arrive $0xFFFF;
	(pc) =	sbr.rel @p0 .LBB2_1-.Ltmp1, $4  }
0x3c: {  	[hbm:s10], [sflag:s6] =	dma.local [spmem:s14], $0x1400  }
0x3d: {  	_ =	swait.ge [sflag:s13], $0x1400  }
0x3e: {  	[sflag:s13] =	ssyncset.done $0x0  }
0x3f: {  	[sflag:s13] =	ssyncadd.s32 $0xFFFFEC00  }
0x40: {  	_ =	sfence.sel $0x180000  }
0x41: {  	[bflag:$0x0] =	sbarrier.arrive $0xFFFF  }
0x42: {  	p0 =	sne.s32 s0, $0x0;
	_ =	strace $0x9000004D  }
0x43: {  	s0 =	sadd.s32 @!p0 $0x100000, s1;
	[bflag:$0x2] =	sbarrier.arrive $0xFFFF  }
0x44: {  	[sflag:s0] =	ssyncadd.tile.s32 @!p0 $0x1;
	_ =	shalt  }
.Lfunc_end2:
_tile_overlayer_lowered:
.L_overlay_start_2:
0x45: {  	(tag) =	ssettag $0x2  }
0x46: {  	s0 =	rddreg [dreg:$0x0];
	s2 =	stileid.u32  }
0x47: {  	s1 =	rddreg [dreg:$0x1];
	p0 =	sne.s32 s2, $0x0  }
0x48: {  	s3 =	rddreg [dreg:$0x2];
	[bflag:$0x3] =	sbarrier.arrive $0xFFFF;
	s2 =	simm.s32 @!p0 $0x1C01  }
0x49: {  	[timem:s3], [sflag:s2] =	dma.local @!p0 [hbm:s0], s1  }
0x4a: {  	s0 =	simm.s32 @!p0 $0x1  }
0x4b: {  	_ =	swait.ge @!p0 [sflag:s0], s1  }
0x4c: {  	s1 =	ssub.s32 @!p0 $0x0, s1;
	[sflag:s0] =	ssyncset.done @!p0 $0x0  }
0x4d: {  	[sflag:s0] =	ssyncadd.s32 @!p0 s1  }
0x4e: {  	[bflag:$0x3] =	sbarrier.arrive $0xFFFF  }
0x4f: {  	_ =	shalt  }

// kernel: kernel.9.cloned.1.call-start
scs
__scs_entry_jumppad:
0x0: {  	(pc) =	sbr.rel $0x88, $3  }
0x1: {  	(tag) =	ssettag $0x0;
	lr =	simm.s32 $0x1  }
0x2: {  	[smem:$0x3F9D] =	sst lr;
	_ =	strace $0xD0000000  }
0x3: {  	_ = 	snop  }
0x4: {  	_ = 	snop  }
0x5: {  	_ = 	snop  }
0x6: {  	_ = 	snop  }
0x7: {  	_ = 	snop  }
__scs_overlays_trampoline_lowered:
0x8: {  	[smem:$0x3FAC] =	sst s0  }
0x9: {  	[smem:$0x3FAD] =	sst s1  }
0xa: {  	[smem:$0x3FAE] =	sst s2  }
0xb: {  	[smem:$0x3FAF] =	sst s3  }
0xc: {  	[smem:$0x3FB0] =	sst s4  }
0xd: {  	[smem:$0x3FB1] =	sst s5  }
0xe: {  	[smem:$0x3FB2] =	sst s6  }
0xf: {  	[smem:$0x3FB3] =	sst s7  }
0x10: {  	[smem:$0x3FB4] =	sst s8  }
0x11: {  	[smem:$0x3FB5] =	sst s9;
	s0 =	simm.s32 @!p0 $0x0  }
0x12: {  	s1 =	sld [smem:$0x3F9B];
	s0 =	simm.s32 @p0 $0x1  }
0x13: {  	[smem:$0x3FB6] =	sst s0;
	s0 =	simm.s32 @!p1 $0x0  }
0x14: {  	s2 =	sld [smem:$0x3F9A];
	s0 =	simm.s32 @p1 $0x1  }
0x15: {  	[smem:$0x3FB7] =	sst s0;
	s0 =	simm.s32 @!p2 $0x0  }
0x16: {  	s3 =	sld [smem:$0x3FDB];
	s0 =	simm.s32 @p2 $0x1  }
0x17: {  	s4 =	simm.s32 $0x1BF5;
	[smem:$0x3FB9] =	sst s0  }
0x18: {  	s0 =	sld [smem:$0x3F9C];
	_ =	swait.ge [sflag:s4], $0x0  }
0x19: {  	s7 =	sld [smem:$0x3F9D]  }
0x1a: {  	s8 =	sadd.s32 $0xFFFFE003, lr  }
0x1b: {  	s9 =	sadd.s32 $0xFFFFFEF7, lr;
	s5 =	simm.s32 $0xFFFFFFFF;
	p2 =	slt.u32 s8, $0xFFFFF086  }
0x1c: {  	p1 =	slt.u32 s9, $0xF7A;
	s5 =	simm.s32 @!p2 $0x0  }
0x1d: {  	s5 =	simm.s32 @p1 $0x1;
	p0 =	seq.s32 s7, s2  }
0x1e: {  	s7 =	smul.u32 @!p0 $0xF7A, s2;
	p2 =	seq.s32 @!p0 s5, $0x0  }
0x1f: {  	s9 =	smul.u32 $0xF7A, s1;
	s8 =	simm.s32 @!p0 $0x1BF5;
	p2 =	por !p2, p0  }
0x20: {  	[sflag:s8] =	ssyncset.s32 @!p0 $0xFFFFF086;
	s6 =	sadd.s32 @!p0 s3, s7;
	s7 =	simm.s32 @!p0 $0x108  }
0x21: {  	s3 =	sadd.s32 s3, s9;
	s6 =	sadd.s32 @!p0 $0x88, s6;
	s7 =	simm.s32 @p2 $0x1082  }
0x22: {  	[simem:s7], [sflag:s8] =	dma.local @!p0 [hbm:s6], $0xF7A  }
0x23: {  	s9 =	sor.u32 $0xD0000000, s2;
	s6 =	simm.s32 $0x108;
	_ =	swait.ge @!p0 [sflag:s8], $0x0  }
0x24: {  	s3 =	sadd.s32 $0x88, s3;
	s6 =	simm.s32 @!p1 $0x1082;
	[sflag:s4] =	ssyncset.s32 $0xFFFFF086  }
0x25: {  	[simem:s6], [sflag:s4] =	dma.local [hbm:s3], $0xF7A  }
0x26: {  	[smem:$0x3F9D] =	sst s1;
	(tag) =	ssettag s2;
	_ =	strace s9  }
0x27: {  	s1 =	sld [smem:$0x3FAD]  }
0x28: {  	s2 =	sld [smem:$0x3FAE]  }
0x29: {  	s4 =	sld [smem:$0x3FB0]  }
0x2a: {  	p0 =	seq.s32 s5, $0x0;
	s5 =	sld [smem:$0x3FB1]  }
0x2b: {  	s6 =	sld [smem:$0x3FB2]  }
0x2c: {  	s7 =	sld [smem:$0x3FB3]  }
0x2d: {  	s3 =	simm.s32 $0x108;
	s8 =	sld [smem:$0x3FB4]  }
0x2e: {  	s3 =	simm.s32 @!p0 $0x1082;
	s9 =	sld [smem:$0x3FB5]  }
0x2f: {  	lr =	sadd.s32 s0, s3;
	s0 =	sld [smem:$0x3FAC]  }
0x30: {  	s3 =	sld [smem:$0x3FAF]  }
0x31: {  	[smem:$0x3FB8] =	sst s10  }
0x32: {  	s10 =	sld [smem:$0x3FB6];
	_ =	sdelay $0x3  }
0x33: {  	p0 =	seq.s32 s10, $0x1;
	s10 =	sld [smem:$0x3FB8];
	_ =	sdelay $0x3  }
0x34: {  	[smem:$0x3FB8] =	sst s10  }
0x35: {  	s10 =	sld [smem:$0x3FB7];
	_ =	sdelay $0x3  }
0x36: {  	p1 =	seq.s32 s10, $0x1;
	s10 =	sld [smem:$0x3FB8];
	_ =	sdelay $0x3  }
0x37: {  	[smem:$0x3FB8] =	sst s10  }
0x38: {  	s10 =	sld [smem:$0x3FB9]  }
0x39: {  	_ = 	snop;
	(pc) =	sbr.ind lr, $3  }
0x3a: {  	_ = 	snop  }
0x3b: {  	_ = 	snop  }
0x3c: {  	p2 =	seq.s32 s10, $0x1;
	s10 =	sld [smem:$0x3FB8]  }
0x3d: {  	_ =	shalt  }
0x3e: {  	_ =	shalt  }
0x3f: {  	_ =	shalt  }
0x40: {  	_ =	shalt  }
0x41: {  	_ =	shalt  }
0x42: {  	_ =	shalt  }
0x43: {  	_ =	shalt  }
0x44: {  	_ =	shalt  }
0x45: {  	_ =	shalt  }
0x46: {  	_ =	shalt  }
0x47: {  	_ =	shalt  }
0x48: {  	_ =	shalt  }
0x49: {  	_ =	shalt  }
0x4a: {  	_ =	shalt  }
0x4b: {  	_ =	shalt  }
0x4c: {  	_ =	shalt  }
0x4d: {  	_ =	shalt  }
0x4e: {  	_ =	shalt  }
0x4f: {  	_ =	shalt  }
0x50: {  	_ =	shalt  }
0x51: {  	_ =	shalt  }
0x52: {  	_ =	shalt  }
0x53: {  	_ =	shalt  }
0x54: {  	_ =	shalt  }
0x55: {  	_ =	shalt  }
0x56: {  	_ =	shalt  }
0x57: {  	_ =	shalt  }
0x58: {  	_ =	shalt  }
0x59: {  	_ =	shalt  }
0x5a: {  	_ =	shalt  }
0x5b: {  	_ =	shalt  }
0x5c: {  	_ =	shalt  }
0x5d: {  	_ =	shalt  }
0x5e: {  	_ =	shalt  }
0x5f: {  	_ =	shalt  }
0x60: {  	_ =	shalt  }
0x61: {  	_ =	shalt  }
0x62: {  	_ =	shalt  }
0x63: {  	_ =	shalt  }
0x64: {  	_ =	shalt  }
0x65: {  	_ =	shalt  }
0x66: {  	_ =	shalt  }
0x67: {  	_ =	shalt  }
0x68: {  	_ =	shalt  }
0x69: {  	_ =	shalt  }
0x6a: {  	_ =	shalt  }
0x6b: {  	_ =	shalt  }
0x6c: {  	_ =	shalt  }
0x6d: {  	_ =	shalt  }
0x6e: {  	_ =	shalt  }
0x6f: {  	_ =	shalt  }
0x70: {  	_ =	shalt  }
0x71: {  	_ =	shalt  }
0x72: {  	_ =	shalt  }
0x73: {  	_ =	shalt  }
0x74: {  	_ =	shalt  }
0x75: {  	_ =	shalt  }
0x76: {  	_ =	shalt  }
0x77: {  	_ =	shalt  }
0x78: {  	_ =	shalt  }
0x79: {  	_ =	shalt  }
0x7a: {  	_ =	shalt  }
0x7b: {  	_ =	shalt  }
0x7c: {  	_ =	shalt  }
0x7d: {  	_ =	shalt  }
0x7e: {  	_ =	shalt  }
0x7f: {  	_ =	shalt  }
0x80: {  	_ =	shalt  }
0x81: {  	_ =	shalt  }
0x82: {  	_ =	shalt  }
0x83: {  	_ =	shalt  }
0x84: {  	_ =	shalt  }
0x85: {  	_ =	shalt  }
0x86: {  	_ =	shalt  }
0x87: {  	_ =	shalt  }
.Lfunc_end0:
.L_simem_size_0:
called_computation_lowered:
.L_overlay_start_0:
0x88: {  	s2 =	sld [smem:$0x3FD9]  }
0x89: {  	s3 =	sld [smem:$0x3FFE];
	_ =	sdelay $0x1  }
0x8a: {  	s1 =	srdreg.scid  }
0x8b: {  	s0 =	sand.u32 $0x1, s1  }
0x8c: {  	s16 =	sshll.u32 s0, $0xA;
	s2 =	sadd.s32 s3, s2  }
0x8d: {  	s2 =	sadd.s32 s2, s16  }
0x8e: {  	[smem:$0x3FC4] =	sst s2  }
0x8f: {  	_ = 	snop  }
0x90: {  	(tm) =	ssettm $0x1  }
0x91: {  	s17 =	sld [smem:$0x3FFB];
	_ =	sdelay $0x3  }
0x92: {  	_ =	strace s17  }
0x93: {  	s2 =	sld [smem:$0x3FFC];
	_ =	sdelay $0x3  }
0x94: {  	_ =	strace s2  }
0x95: {  	s2 =	sld [smem:$0x3FFD];
	_ =	sdelay $0x3  }
0x96: {  	_ =	strace s2  }
0x97: {  	_ =	strace $0x8FFFFFFF  }
0x98: {  	s18 =	sld [smem:$0x3FDB];
	_ =	sdelay $0x1  }
0x99: {  	s19 =	simm.s32 $_scs_section_size  }
0x9a: {  	s4 =	simm.s32 $_size__tile_overlayer_lowered;
	s5 =	simm.s32 $_tile_overlayer_lowered  }
0x9b: {  	s22 =	simm.s32 $0x1BFF;
	s21 =	sshll.u32 s5, $0x1;
	s2 =	sadd.s32 s19, s18  }
0x9c: {  	s6 =	simm.s32 $0x0;
	s20 =	sshll.u32 s4, $0x1;
	s4 =	sadd.s32 s21, s2  }
0x9d: {  	[timem:s6], [sflag:s22] =	dma.local [hbm:s4], s20  }
0x9e: {  	_ =	swait.ge [sflag:s22], s20  }
0x9f: {  	s3 =	ssub.s32 $0x0, s20;
	[sflag:s22] =	ssyncset.done $0x0  }
0xa0: {  	[sflag:s22] =	ssyncadd.s32 s3;
	_ =	sdelay $0x1  }
0xa1: {  	s23 =	simm.s32 $0x1B8B  }
0xa2: {  	_ =	swait.ge [sflag:s23], $0x1  }
0xa3: {  	[sflag:s23] =	ssyncset.done $0x0  }
0xa4: {  	s25 =	simm.s32 $0x1B8E;
	s24 =	sld [smem:$0x3FFE];
	[sflag:s23] =	ssyncadd.s32 $0xFFFFFFFF  }
0xa5: {  	s26 =	simm.s32 $execute0_lowered;
	[smem:$0x3FD2] =	sst s25  }
0xa6: {  	s4 =	sshll.u32 s26, $0x1;
	_ =	strace $0x80000046;
	[dreg:$0x1] =	wrdreg $0xFFFFFFFF  }
0xa7: {  	s28 =	simm.s32 $_size_execute0_lowered;
	s2 =	sadd.s32 s2, s4;
	[dreg:$0x0] =	wrdreg $0x0  }
0xa8: {  	s4 =	sshll.u32 s28, $0x1;
	[dreg:$0x2] =	wrdreg s2  }
0xa9: {  	[dreg:$0x3] =	wrdreg s4  }
0xaa: {  	[dreg:$0x4] =	wrdreg $0xC0  }
0xab: {  	_ =	task [dreg:s6], $0x5FFFF  }
0xac: {  	[dreg:$0x1] =	wrdreg $0xFFFFFFFF  }
0xad: {  	[dreg:$0x0] =	wrdreg $0x60  }
0xae: {  	[dreg:$0x2] =	wrdreg s24  }
0xaf: {  	[dreg:$0x3] =	wrdreg $0x30000  }
0xb0: {  	[dreg:$0x4] =	wrdreg $0x9  }
0xb1: {  	_ =	task.clear_ibuf [dreg:s6], $0x5FFFF;
	_ =	strace $0x90000046  }
0xb2: {  	s29 =	simm.s32 $0x9;
	_ =	strace $0x80000048  }
0xb3: {  	_ =	swait.ge [sflag:s29], $0x1  }
0xb4: {  	[sflag:s29] =	ssyncadd.s32 $0xFFFFFFFF  }
0xb5: {  	_ =	strace $0x90000048  }
0xb6: {  	_ =	sfence  }
0xb7: {  	s30 =	sld [smem:$0x0];
	_ =	sdelay $0x2  }
0xb8: {  	s31 =	sshll.u32 s1, $0xD;
	s1 =	sshrl.u32 s1, $0x2  }
0xb9: {  	s3 =	sand.u32 $0x4000, s31;
	s1 =	sadd.s32 s1, s30  }
0xba: {  	s0 =	sor.u32 s3, s0;
	s1 =	sshll.u32 s1, $0x11  }
0xbb: {  	s0 =	sor.u32 s1, s0  }
0xbc: {  	s0 =	sadd.s32 $0x8F2B, s0  }
0xbd: {  	[sflag:s0] =	ssyncadd.remote.s32 $0x1  }
0xbe: {  	_ =	sfence.sel $0xFFFF  }
0xbf: {  	[dreg:$0x0] =	wrdreg $0xFFFFFFFF;
	(pc) =	sbr.abs _section_cstart, $3  }
0xc0: {  	[dreg:$0x1] =	wrdreg $0xFFFFFFFF  }
0xc1: {  	_ =	task.clear_ibuf [dreg:s6], $0x2FFFF;
	_ =	strace $0x9FFFFFFF  }
0xc2: {  	(tm) =	ssettm $0x7FFFFFFF  }
0xc3: {  	_ =	shalt  }
tec
execute0_lowered:
.L_overlay_start_1:
0x0: {  	(tag) =	ssettag $0x1  }
0x1: {  	s1 =	srdreg.scid  }
0x2: {  	s0 =	stileid.u32;
	s6 =	rddreg [dreg:$0x0]  }
0x3: {  	s2 =	rddreg [dreg:$0x1];
	s3 =	simm.s32 $0x0;
	s13 =	simm.s32 $0x80  }
0x4: {  	s14 =	simm.s32 $0x0;
	s5 =	sand.u32 $0x1, s1;
	s30 =	sshll.u32 s0, $0x1  }
0x5: {  	s7 =	smul.u32 $0x2800, s0;
	[smem:$0x7FF] =	sst s3;
	s31 =	sshll.u32 s0, $0x6  }
0x6: {  	s1 =	sor.u32 s5, s30;
	s8 =	smul.u32 $0x28000, s5;
	s5 =	ssub.s32 $0x2, s5  }
0x7: {  	s4 =	smul.u32 $0x500, s1;
	s1 =	rddreg [dreg:$0x2];
	_ =	strace $0x80000047  }
0x8: {  	s10 =	sshrl.u32 s7, $0x3;
	s11 =	sshrl.u32 s5, $0x1;
	s12 =	sadd.s32 s7, s2  }
0x9: {  	s8 =	sadd.s32 s7, s8;
	s10 =	sadd.s32 s10, s6;
	s11 =	ssub.s32 s5, s11  }
0xa: {  	s9 =	sadd.s32 s4, s6;
	s4 =	sadd.s32 $0xBE00, s6;
	s8 =	sshrl.u32 s8, $0x3  }
0xb: {  	s5 =	sadd.s32 $0xC000, s10;
	s10 =	sshrl.u32 s12, $0x3;
	s12 =	simm.s32 $0x2800  }
0xc: {  	s8 =	sadd.s32 s8, s6;
	s6 =	sor.u32 $0x1C01, s31;
	s7 =	sadd.s32 $0x1E00, s9  }
0xd: {  	s9 =	smax.u32 s11, $0x1;
	s11 =	simm.s32 $0x1;
	s8 =	sadd.s32 $0x11000, s8  }
.LBB2_1:
0xe: {  	[spmem:s10], [sflag:s6] =	dma.local [hbm:s5], $0x500  }
0xf: {  	_ =	swait.ge [sflag:s11], $0x500  }
0x10: {  	[sflag:s11] =	ssyncset.done $0x0  }
0x11: {  	[sflag:s11] =	ssyncadd.s32 $0xFFFFFB00  }
0x12: {  	[tilespmem:s3], [sflag:$0x1] =	stream.linear.gather [hbm4b:s7+s3], $0x2800, $0x38;
	[tilespmem:$0x5800] =	vst v63  }
0x13: {  	_ =	swait.ge [sflag:s11], $0x2800  }
0x14: {  	[sflag:s11] =	ssyncset.done $0x0  }
0x15: {  	[sflag:s11] =	ssyncadd.s32 $0xFFFFD800  }
0x16: {  	[tilespmem:s12], [sflag:$0x1] =	stream.linear.gather [hbm4b:s4+s3], $0x800, $0x38;
	[tilespmem:$0x5800] =	vst v63  }
0x17: {  	_ =	swait.ge [sflag:s11], $0x800  }
0x18: {  	[sflag:s11] =	ssyncset.done $0x0  }
0x19: {  	[sflag:s11] =	ssyncadd.s32 $0xFFFFF800  }
0x1a: {  	s15 =	simm.s32 $0x0;
	[bflag:$0x0] =	sbarrier.arrive $0xFFFF  }
0x1b: {  	[spmem:s2] =	stream.indirect.scatter.add.f32 [tilespmem:s12], [sflag:$0x1], $0x10, s15, s13, $0xb8;
	[tilespmem:$0x5800] =	vst v63  }
0x1c: {  	_ =	swait.ge [sflag:s11], $0x800  }
0x1d: {  	s15 =	simm.s32 $0x200;
	[sflag:s11] =	ssyncset.done $0x0  }
.LBB2_2:
0x1e: {  	s16 =	sshra.s32 s15, $0x2;
	[sflag:s11] =	ssyncadd.s32 $0xFFFFF800;
	p0 =	sne.s32 s15, $0x9E00  }
0x1f: {  	[spmem:s2] =	stream.indirect.scatter.add.f32 [tilespmem:s12], [sflag:$0x1], $0x10, s16, s13, $0xb8;
	[tilespmem:$0x5800] =	vst v63  }
.Ltmp0:
0x20: {  	_ = 	snop;
	(pc) =	sbr.rel @p0 .LBB2_2-.Ltmp0, $4  }
0x21: {  	_ = 	snop  }
0x22: {  	s15 =	sadd.s32 $0x200, s15  }
0x23: {  	_ =	swait.ge [sflag:s11], $0x800  }
0x24: {  	[sflag:s11] =	ssyncset.done $0x0  }
0x25: {  	s14 =	sadd.s32 $0x1, s14  }
0x26: {  	[sflag:s11] =	ssyncadd.s32 $0xFFFFF800;
	p0 =	sne.s32 s14, s9  }
.Ltmp1:
0x27: {  	[bflag:$0x0] =	sbarrier.arrive $0xFFFF;
	(pc) =	sbr.rel @p0 .LBB2_1-.Ltmp1, $4  }
0x28: {  	[hbm:s8], [sflag:s6] =	dma.local [spmem:s10], $0x500  }
0x29: {  	_ =	swait.ge [sflag:s11], $0x500  }
0x2a: {  	[sflag:s11] =	ssyncset.done $0x0  }
0x2b: {  	[sflag:s11] =	ssyncadd.s32 $0xFFFFFB00  }
0x2c: {  	_ =	sfence.sel $0x180000  }
0x2d: {  	[bflag:$0x0] =	sbarrier.arrive $0xFFFF  }
0x2e: {  	p0 =	sne.s32 s0, $0x0;
	_ =	strace $0x90000047  }
0x2f: {  	s0 =	sadd.s32 @!p0 $0x100000, s1;
	[bflag:$0x2] =	sbarrier.arrive $0xFFFF  }
0x30: {  	[sflag:s0] =	ssyncadd.tile.s32 @!p0 $0x1;
	_ =	shalt  }
.Lfunc_end2:
_tile_overlayer_lowered:
.L_overlay_start_2:
0x31: {  	(tag) =	ssettag $0x2  }
0x32: {  	s0 =	rddreg [dreg:$0x0];
	s2 =	stileid.u32  }
0x33: {  	s1 =	rddreg [dreg:$0x1];
	p0 =	sne.s32 s2, $0x0  }
0x34: {  	s3 =	rddreg [dreg:$0x2];
	[bflag:$0x3] =	sbarrier.arrive $0xFFFF;
	s2 =	simm.s32 @!p0 $0x1C01  }
0x35: {  	[timem:s3], [sflag:s2] =	dma.local @!p0 [hbm:s0], s1  }
0x36: {  	s0 =	simm.s32 @!p0 $0x1  }
0x37: {  	_ =	swait.ge @!p0 [sflag:s0], s1  }
0x38: {  	s1 =	ssub.s32 @!p0 $0x0, s1;
	[sflag:s0] =	ssyncset.done @!p0 $0x0  }
0x39: {  	[sflag:s0] =	ssyncadd.s32 @!p0 s1  }
0x3a: {  	[bflag:$0x3] =	sbarrier.arrive $0xFFFF  }
0x3b: {  	_ =	shalt  }

</sc_bundles>
